<compile_context>
chip_gen: v7x
topology: tpu7x:2x2x1
jax: 0.10.2.dev20260603
libtpu: 0.0.44.dev20260713+nightly
codegen_flags: <defaults>
</compile_context>

<pallas_src>
import functools

import jax
import jax.numpy as jnp
from jax import lax
from jax.experimental import pallas as pl
from jax.experimental.pallas import tpu as pltpu
from jax.experimental.pallas import tpu_sc as plsc

BATCH = 16384
HIST = 50
DIM = 64
NROW = 1000000
N = BATCH * HIST
NUM_CORES = 2
NUM_SUBCORES = 16
NW = NUM_CORES * NUM_SUBCORES
PER_W = N // NW
CHUNK = 200
NCHUNK = PER_W // CHUNK
NBUF = 4
NGROUP = NCHUNK // NBUF

_TC = 16384


def _eye(n, m):
    r = lax.broadcasted_iota(jnp.int32, (n, m), 0)
    c = lax.broadcasted_iota(jnp.int32, (n, m), 1)
    return jnp.where(r == c, 1.0, 0.0).astype(jnp.float32)


def _tx_body(wt_ref, out_ref):
    t = jnp.transpose(wt_ref[...], (1, 0))
    out_ref[...] = jnp.concatenate([t, t], axis=1)


_transpose_table = pl.pallas_call(
    _tx_body,
    grid=(pl.cdiv(NROW, _TC),),
    in_specs=[pl.BlockSpec((DIM, _TC), lambda i: (0, i))],
    out_specs=pl.BlockSpec((_TC, 2 * DIM), lambda i: (i, 0)),
    out_shape=jax.ShapeDtypeStruct((NROW, 2 * DIM), jnp.float32),
)

_mesh = plsc.VectorSubcoreMesh(core_axis_name="c", subcore_axis_name="s")


@functools.partial(
    pl.kernel,
    mesh=_mesh,
    out_type=jax.ShapeDtypeStruct((N, 2 * DIM), jnp.float32),
    scratch_types=[
        pltpu.VMEM((PER_W,), jnp.int32),
        pltpu.VMEM((NBUF, CHUNK, 2 * DIM), jnp.float32),
        [pltpu.SemaphoreType.DMA] * NBUF,
        [pltpu.SemaphoreType.DMA] * NBUF,
    ],
    compiler_params=pltpu.CompilerParams(use_tc_tiling_on_sc=False),
)
def _gather_kernel(idx_hbm, table_hbm, out_hbm, idx_v, bufs, g_sems, s_sems):
    wid = lax.axis_index("s") * NUM_CORES + lax.axis_index("c")
    base = wid * PER_W
    pltpu.sync_copy(idx_hbm.at[pl.ds(base, PER_W)], idx_v)

    def start_gather(c, b):
        pltpu.async_copy(
            table_hbm.at[idx_v.at[pl.ds(c * CHUNK, CHUNK)]],
            bufs.at[b], g_sems[b])

    def wait_gather(c, b):
        pltpu.make_async_copy(
            table_hbm.at[idx_v.at[pl.ds(c * CHUNK, CHUNK)]],
            bufs.at[b], g_sems[b]).wait()

    def start_store(c, b):
        pltpu.async_copy(
            bufs.at[b], out_hbm.at[pl.ds(base + c * CHUNK, CHUNK)], s_sems[b])

    def wait_store(c, b):
        pltpu.make_async_copy(
            bufs.at[b], out_hbm.at[pl.ds(base + c * CHUNK, CHUNK)],
            s_sems[b]).wait()

    for b in range(NBUF):
        start_gather(b, b)
        if b > 0:
            wait_gather(b - 1, b - 1)
            start_store(b - 1, b - 1)

    @pl.loop(1, NGROUP)
    def _group(q):
        for b in range(NBUF):
            c = q * NBUF + b
            wait_store(c - NBUF, b)
            start_gather(c, b)
            pb = (b - 1) % NBUF
            wait_gather(c - 1, pb)
            start_store(c - 1, pb)

    last = NCHUNK - 1
    lb = last % NBUF
    wait_gather(last, lb)
    start_store(last, lb)
    for b in range(NBUF):
        wait_store(NCHUNK - NBUF + b, b)


_BC = 16384


def _out_body(g_ref, out_ref):
    t = jnp.transpose(g_ref[0], (1, 0))
    out_ref[0] = t[:DIM, :]


_transpose_out = pl.pallas_call(
    _out_body,
    grid=(HIST, BATCH // _BC),
    in_specs=[pl.BlockSpec((1, _BC, 2 * DIM), lambda h, j: (h, j, 0))],
    out_specs=pl.BlockSpec((1, DIM, _BC), lambda h, j: (h, 0, j)),
    out_shape=jax.ShapeDtypeStruct((HIST, DIM, BATCH), jnp.float32),
)


def kernel(input_, weight):
    idx = input_.T.reshape(N).astype(jnp.int32)
    table = _transpose_table(weight.T)
    rows = _gather_kernel(idx, table)
    out3 = _transpose_out(rows.reshape(HIST, BATCH, 2 * DIM))
    return jnp.transpose(out3, (2, 0, 1))

# --- scband reference (transcript-rebuilt; emitter-appended) ---
"""Pipeline reference for scband-parallel-embedding-81123342287212 (READ-ONLY COPY).

The authoritative reference and input builder live on the scoring server;
editing this copy changes nothing except your own understanding.
"""

import jax, jax.numpy as jnp
import numpy as np

NUM_EMBEDDINGS = 1000000
EMBEDDING_DIM = 64
BATCH = 16384
HIST = 50


def setup_inputs(seed: int = 0) -> dict:
    key = jax.random.key(seed)
    k_idx, k_w = jax.random.split(key)
    input_ = jax.random.randint(k_idx, (BATCH, HIST), 0, NUM_EMBEDDINGS, dtype=jnp.int64 if jax.config.jax_enable_x64 else jnp.int32)
    weight = jax.random.normal(k_w, (NUM_EMBEDDINGS, EMBEDDING_DIM), dtype=jnp.float32)
    return {"input_": input_, "weight": weight}


def reference(input_, weight):
    # ParallelEmbedding.forward: copy_to_model_parallel_region is identity on one chip,
    # F.embedding is a row gather, gather_from_model_parallel_region concatenates the
    # dim-sharded outputs -> equivalent to full-table gather.
    return jnp.take(weight, input_, axis=0)

if __name__ == "__main__":
    import jax
    _d = setup_inputs()
    print(jax.jit(kernel)(*tuple(_d.values())))

</pallas_src>

<mosaic_0001>
#map = affine_map<(d0, d1) -> (0)>
#map1 = affine_map<(d0, d1) -> (0, 0)>
module attributes {stable_mosaic.version = 14 : i64} {
  func.func @_gather_kernel(%arg0: i32, %arg1: i32, %arg2: memref<819200xi32, #tpu.memory_space<hbm>>, %arg3: memref<1000000x128xf32, #tpu.memory_space<hbm>>, %arg4: memref<819200x128xf32, #tpu.memory_space<hbm>>, %arg5: memref<25600xi32, #tpu.memory_space<vmem>>, %arg6: memref<4x200x128xf32, #tpu.memory_space<vmem>>, %arg7: memref<!tpu.dma_semaphore, #tpu.memory_space<semaphore_mem>>, %arg8: memref<!tpu.dma_semaphore, #tpu.memory_space<semaphore_mem>>, %arg9: memref<!tpu.dma_semaphore, #tpu.memory_space<semaphore_mem>>, %arg10: memref<!tpu.dma_semaphore, #tpu.memory_space<semaphore_mem>>, %arg11: memref<!tpu.dma_semaphore, #tpu.memory_space<semaphore_mem>>, %arg12: memref<!tpu.dma_semaphore, #tpu.memory_space<semaphore_mem>>, %arg13: memref<!tpu.dma_semaphore, #tpu.memory_space<semaphore_mem>>, %arg14: memref<!tpu.dma_semaphore, #tpu.memory_space<semaphore_mem>>) attributes {dimension_semantics = [#tpu.dimension_semantics<core_parallel>, #tpu.dimension_semantics<subcore_parallel>], iteration_bounds = array<i64: 2, 16>, scalar_prefetch = 0 : i64, scratch_operands = 10 : i64, tpu.core_type = #tpu.core_type<sc_vector_subcore>, window_params = [{transform_indices = #map}, {transform_indices = #map1}, {transform_indices = #map1}]} {
    %mul3A = arith.constant 2 : i32
    %mul3A_0 = arith.muli %arg1, %mul3A : i32
    %add3A = arith.addi %mul3A_0, %arg0 : i32
    %mul3A_1 = arith.constant 25600 : i32
    %mul3A_2 = arith.muli %add3A, %mul3A_1 : i32
    "tpu.region"() ({
      %run_scoped3A = tpu.sem_alloc : memref<!tpu.dma_semaphore, #tpu.memory_space<semaphore_mem>>
      %dma_start3A_205 = tpu.memref_slice %arg2[%mul3A_2] : memref<819200xi32, #tpu.memory_space<hbm>> -> memref<25600xi32, #tpu.memory_space<hbm>>
      %dma_start3A_206 = tpu.memref_slice %arg2[%mul3A_2] : memref<819200xi32, #tpu.memory_space<hbm>> -> memref<25600xi32, #tpu.memory_space<hbm>>
      tpu.enqueue_dma source(%dma_start3A_206 : memref<25600xi32, #tpu.memory_space<hbm>>) target(%arg5 : memref<25600xi32, #tpu.memory_space<vmem>>) target_semaphore(%run_scoped3A : memref<!tpu.dma_semaphore, #tpu.memory_space<semaphore_mem>>)
      %dma_wait3A_207 = tpu.memref_slice %arg2[%mul3A_2] : memref<819200xi32, #tpu.memory_space<hbm>> -> memref<25600xi32, #tpu.memory_space<hbm>>
      %dma_wait3A_208 = tpu.memref_slice %arg2[%mul3A_2] : memref<819200xi32, #tpu.memory_space<hbm>> -> memref<25600xi32, #tpu.memory_space<hbm>>
      tpu.wait_dma2 semaphore(%run_scoped3A : memref<!tpu.dma_semaphore, #tpu.memory_space<semaphore_mem>>) src(%dma_wait3A_208 : memref<25600xi32, #tpu.memory_space<hbm>>) dst(%arg5 : memref<25600xi32, #tpu.memory_space<vmem>>)
      tpu.yield
    }) : () -> ()
    %dma_start3A = arith.constant 0 : i32
    %dma_start3A_3 = arith.constant 0 : i32
    %dma_start3A_4 = arith.constant 0 : i32
    %dma_start3A_5 = tpu.memref_slice %arg6[%dma_start3A, %dma_start3A_3, %dma_start3A_4] : memref<4x200x128xf32, #tpu.memory_space<vmem>> -> memref<1x200x128xf32, #tpu.memory_space<vmem>>
    %dma_start3A_6 = tpu.memref_squeeze %dma_start3A_5 : memref<1x200x128xf32, #tpu.memory_space<vmem>> -> memref<200x128xf32, #tpu.memory_space<vmem>>
    %dma_start3A_7 = arith.constant 0 : i32
    %dma_start3A_8 = tpu.memref_slice %arg5[%dma_start3A_7] : memref<25600xi32, #tpu.memory_space<vmem>> -> memref<200xi32, #tpu.memory_space<vmem>>
    %dma_start3A_9 = arith.constant 0 : i32
    %dma_start3A_10 = arith.constant 0 : i32
    %dma_start3A_11 = tpu.memref_slice %arg3[%dma_start3A_9, %dma_start3A_10] : memref<1000000x128xf32, #tpu.memory_space<hbm>> -> memref<1000000x128xf32, #tpu.memory_space<hbm>>
    tpu.enqueue_indirect_dma source(%dma_start3A_11 : memref<1000000x128xf32, #tpu.memory_space<hbm>>) target(%dma_start3A_6 : memref<200x128xf32, #tpu.memory_space<vmem>>) offsets(%dma_start3A_8 : memref<200xi32, #tpu.memory_space<vmem>>) semaphore(%arg7 : memref<!tpu.dma_semaphore, #tpu.memory_space<semaphore_mem>>)
    %dma_start3A_12 = arith.constant 1 : i32
    %dma_start3A_13 = arith.constant 0 : i32
    %dma_start3A_14 = arith.constant 0 : i32
    %dma_start3A_15 = tpu.memref_slice %arg6[%dma_start3A_12, %dma_start3A_13, %dma_start3A_14] : memref<4x200x128xf32, #tpu.memory_space<vmem>> -> memref<1x200x128xf32, #tpu.memory_space<vmem>>
    %dma_start3A_16 = tpu.memref_squeeze %dma_start3A_15 : memref<1x200x128xf32, #tpu.memory_space<vmem>> -> memref<200x128xf32, #tpu.memory_space<vmem>>
    %dma_start3A_17 = arith.constant 200 : i32
    %dma_start3A_18 = tpu.memref_slice %arg5[%dma_start3A_17] : memref<25600xi32, #tpu.memory_space<vmem>> -> memref<200xi32, #tpu.memory_space<vmem>>
    %dma_start3A_19 = arith.constant 0 : i32
    %dma_start3A_20 = arith.constant 0 : i32
    %dma_start3A_21 = tpu.memref_slice %arg3[%dma_start3A_19, %dma_start3A_20] : memref<1000000x128xf32, #tpu.memory_space<hbm>> -> memref<1000000x128xf32, #tpu.memory_space<hbm>>
    tpu.enqueue_indirect_dma source(%dma_start3A_21 : memref<1000000x128xf32, #tpu.memory_space<hbm>>) target(%dma_start3A_16 : memref<200x128xf32, #tpu.memory_space<vmem>>) offsets(%dma_start3A_18 : memref<200xi32, #tpu.memory_space<vmem>>) semaphore(%arg8 : memref<!tpu.dma_semaphore, #tpu.memory_space<semaphore_mem>>)
    %dma_wait3A = arith.constant 0 : i32
    %dma_wait3A_22 = arith.constant 0 : i32
    %dma_wait3A_23 = arith.constant 0 : i32
    %dma_wait3A_24 = tpu.memref_slice %arg6[%dma_wait3A, %dma_wait3A_22, %dma_wait3A_23] : memref<4x200x128xf32, #tpu.memory_space<vmem>> -> memref<1x200x128xf32, #tpu.memory_space<vmem>>
    %dma_wait3A_25 = tpu.memref_squeeze %dma_wait3A_24 : memref<1x200x128xf32, #tpu.memory_space<vmem>> -> memref<200x128xf32, #tpu.memory_space<vmem>>
    %dma_wait3A_26 = arith.constant 0 : i32
    %dma_wait3A_27 = tpu.memref_slice %arg5[%dma_wait3A_26] : memref<25600xi32, #tpu.memory_space<vmem>> -> memref<200xi32, #tpu.memory_space<vmem>>
    %dma_wait3A_28 = arith.constant 0 : i32
    %dma_wait3A_29 = arith.constant 0 : i32
    %dma_wait3A_30 = tpu.memref_slice %arg3[%dma_wait3A_28, %dma_wait3A_29] : memref<1000000x128xf32, #tpu.memory_space<hbm>> -> memref<1000000x128xf32, #tpu.memory_space<hbm>>
    tpu.wait_indirect_dma semaphore(%arg7 : memref<!tpu.dma_semaphore, #tpu.memory_space<semaphore_mem>>) src(%dma_wait3A_30 : memref<1000000x128xf32, #tpu.memory_space<hbm>>) dst(%dma_wait3A_25 : memref<200x128xf32, #tpu.memory_space<vmem>>)
    %add3A_31 = arith.constant 0 : i32
    %add3A_32 = arith.addi %mul3A_2, %add3A_31 : i32
    %dma_start3A_33 = arith.constant 0 : i32
    %dma_start3A_34 = arith.constant 0 : i32
    %dma_start3A_35 = arith.constant 0 : i32
    %dma_start3A_36 = tpu.memref_slice %arg6[%dma_start3A_33, %dma_start3A_34, %dma_start3A_35] : memref<4x200x128xf32, #tpu.memory_space<vmem>> -> memref<1x200x128xf32, #tpu.memory_space<vmem>>
    %dma_start3A_37 = tpu.memref_squeeze %dma_start3A_36 : memref<1x200x128xf32, #tpu.memory_space<vmem>> -> memref<200x128xf32, #tpu.memory_space<vmem>>
    %dma_start3A_38 = arith.constant 0 : i32
    %dma_start3A_39 = tpu.memref_slice %arg4[%add3A_32, %dma_start3A_38] : memref<819200x128xf32, #tpu.memory_space<hbm>> -> memref<200x128xf32, #tpu.memory_space<hbm>>
    %dma_start3A_40 = arith.constant 0 : i32
    %dma_start3A_41 = tpu.memref_slice %arg4[%add3A_32, %dma_start3A_40] : memref<819200x128xf32, #tpu.memory_space<hbm>> -> memref<200x128xf32, #tpu.memory_space<hbm>>
    %dma_start3A_42 = arith.constant 0 : i32
    %dma_start3A_43 = arith.constant 0 : i32
    %dma_start3A_44 = tpu.memref_slice %arg6[%dma_start3A_33, %dma_start3A_42, %dma_start3A_43] : memref<4x200x128xf32, #tpu.memory_space<vmem>> -> memref<1x200x128xf32, #tpu.memory_space<vmem>>
    %dma_start3A_45 = tpu.memref_squeeze %dma_start3A_44 : memref<1x200x128xf32, #tpu.memory_space<vmem>> -> memref<200x128xf32, #tpu.memory_space<vmem>>
    tpu.enqueue_dma source(%dma_start3A_45 : memref<200x128xf32, #tpu.memory_space<vmem>>) target(%dma_start3A_41 : memref<200x128xf32, #tpu.memory_space<hbm>>) target_semaphore(%arg11 : memref<!tpu.dma_semaphore, #tpu.memory_space<semaphore_mem>>)
    %dma_start3A_46 = arith.constant 2 : i32
    %dma_start3A_47 = arith.constant 0 : i32
    %dma_start3A_48 = arith.constant 0 : i32
    %dma_start3A_49 = tpu.memref_slice %arg6[%dma_start3A_46, %dma_start3A_47, %dma_start3A_48] : memref<4x200x128xf32, #tpu.memory_space<vmem>> -> memref<1x200x128xf32, #tpu.memory_space<vmem>>
    %dma_start3A_50 = tpu.memref_squeeze %dma_start3A_49 : memref<1x200x128xf32, #tpu.memory_space<vmem>> -> memref<200x128xf32, #tpu.memory_space<vmem>>
    %dma_start3A_51 = arith.constant 400 : i32
    %dma_start3A_52 = tpu.memref_slice %arg5[%dma_start3A_51] : memref<25600xi32, #tpu.memory_space<vmem>> -> memref<200xi32, #tpu.memory_space<vmem>>
    %dma_start3A_53 = arith.constant 0 : i32
    %dma_start3A_54 = arith.constant 0 : i32
    %dma_start3A_55 = tpu.memref_slice %arg3[%dma_start3A_53, %dma_start3A_54] : memref<1000000x128xf32, #tpu.memory_space<hbm>> -> memref<1000000x128xf32, #tpu.memory_space<hbm>>
    tpu.enqueue_indirect_dma source(%dma_start3A_55 : memref<1000000x128xf32, #tpu.memory_space<hbm>>) target(%dma_start3A_50 : memref<200x128xf32, #tpu.memory_space<vmem>>) offsets(%dma_start3A_52 : memref<200xi32, #tpu.memory_space<vmem>>) semaphore(%arg9 : memref<!tpu.dma_semaphore, #tpu.memory_space<semaphore_mem>>)
    %dma_wait3A_56 = arith.constant 1 : i32
    %dma_wait3A_57 = arith.constant 0 : i32
    %dma_wait3A_58 = arith.constant 0 : i32
    %dma_wait3A_59 = tpu.memref_slice %arg6[%dma_wait3A_56, %dma_wait3A_57, %dma_wait3A_58] : memref<4x200x128xf32, #tpu.memory_space<vmem>> -> memref<1x200x128xf32, #tpu.memory_space<vmem>>
    %dma_wait3A_60 = tpu.memref_squeeze %dma_wait3A_59 : memref<1x200x128xf32, #tpu.memory_space<vmem>> -> memref<200x128xf32, #tpu.memory_space<vmem>>
    %dma_wait3A_61 = arith.constant 200 : i32
    %dma_wait3A_62 = tpu.memref_slice %arg5[%dma_wait3A_61] : memref<25600xi32, #tpu.memory_space<vmem>> -> memref<200xi32, #tpu.memory_space<vmem>>
    %dma_wait3A_63 = arith.constant 0 : i32
    %dma_wait3A_64 = arith.constant 0 : i32
    %dma_wait3A_65 = tpu.memref_slice %arg3[%dma_wait3A_63, %dma_wait3A_64] : memref<1000000x128xf32, #tpu.memory_space<hbm>> -> memref<1000000x128xf32, #tpu.memory_space<hbm>>
    tpu.wait_indirect_dma semaphore(%arg8 : memref<!tpu.dma_semaphore, #tpu.memory_space<semaphore_mem>>) src(%dma_wait3A_65 : memref<1000000x128xf32, #tpu.memory_space<hbm>>) dst(%dma_wait3A_60 : memref<200x128xf32, #tpu.memory_space<vmem>>)
    %add3A_66 = arith.constant 200 : i32
    %add3A_67 = arith.addi %mul3A_2, %add3A_66 : i32
    %dma_start3A_68 = arith.constant 1 : i32
    %dma_start3A_69 = arith.constant 0 : i32
    %dma_start3A_70 = arith.constant 0 : i32
    %dma_start3A_71 = tpu.memref_slice %arg6[%dma_start3A_68, %dma_start3A_69, %dma_start3A_70] : memref<4x200x128xf32, #tpu.memory_space<vmem>> -> memref<1x200x128xf32, #tpu.memory_space<vmem>>
    %dma_start3A_72 = tpu.memref_squeeze %dma_start3A_71 : memref<1x200x128xf32, #tpu.memory_space<vmem>> -> memref<200x128xf32, #tpu.memory_space<vmem>>
    %dma_start3A_73 = arith.constant 0 : i32
    %dma_start3A_74 = tpu.memref_slice %arg4[%add3A_67, %dma_start3A_73] : memref<819200x128xf32, #tpu.memory_space<hbm>> -> memref<200x128xf32, #tpu.memory_space<hbm>>
    %dma_start3A_75 = arith.constant 0 : i32
    %dma_start3A_76 = tpu.memref_slice %arg4[%add3A_67, %dma_start3A_75] : memref<819200x128xf32, #tpu.memory_space<hbm>> -> memref<200x128xf32, #tpu.memory_space<hbm>>
    %dma_start3A_77 = arith.constant 0 : i32
    %dma_start3A_78 = arith.constant 0 : i32
    %dma_start3A_79 = tpu.memref_slice %arg6[%dma_start3A_68, %dma_start3A_77, %dma_start3A_78] : memref<4x200x128xf32, #tpu.memory_space<vmem>> -> memref<1x200x128xf32, #tpu.memory_space<vmem>>
    %dma_start3A_80 = tpu.memref_squeeze %dma_start3A_79 : memref<1x200x128xf32, #tpu.memory_space<vmem>> -> memref<200x128xf32, #tpu.memory_space<vmem>>
    tpu.enqueue_dma source(%dma_start3A_80 : memref<200x128xf32, #tpu.memory_space<vmem>>) target(%dma_start3A_76 : memref<200x128xf32, #tpu.memory_space<hbm>>) target_semaphore(%arg12 : memref<!tpu.dma_semaphore, #tpu.memory_space<semaphore_mem>>)
    %dma_start3A_81 = arith.constant 3 : i32
    %dma_start3A_82 = arith.constant 0 : i32
    %dma_start3A_83 = arith.constant 0 : i32
    %dma_start3A_84 = tpu.memref_slice %arg6[%dma_start3A_81, %dma_start3A_82, %dma_start3A_83] : memref<4x200x128xf32, #tpu.memory_space<vmem>> -> memref<1x200x128xf32, #tpu.memory_space<vmem>>
    %dma_start3A_85 = tpu.memref_squeeze %dma_start3A_84 : memref<1x200x128xf32, #tpu.memory_space<vmem>> -> memref<200x128xf32, #tpu.memory_space<vmem>>
    %dma_start3A_86 = arith.constant 600 : i32
    %dma_start3A_87 = tpu.memref_slice %arg5[%dma_start3A_86] : memref<25600xi32, #tpu.memory_space<vmem>> -> memref<200xi32, #tpu.memory_space<vmem>>
    %dma_start3A_88 = arith.constant 0 : i32
    %dma_start3A_89 = arith.constant 0 : i32
    %dma_start3A_90 = tpu.memref_slice %arg3[%dma_start3A_88, %dma_start3A_89] : memref<1000000x128xf32, #tpu.memory_space<hbm>> -> memref<1000000x128xf32, #tpu.memory_space<hbm>>
    tpu.enqueue_indirect_dma source(%dma_start3A_90 : memref<1000000x128xf32, #tpu.memory_space<hbm>>) target(%dma_start3A_85 : memref<200x128xf32, #tpu.memory_space<vmem>>) offsets(%dma_start3A_87 : memref<200xi32, #tpu.memory_space<vmem>>) semaphore(%arg10 : memref<!tpu.dma_semaphore, #tpu.memory_space<semaphore_mem>>)
    %dma_wait3A_91 = arith.constant 2 : i32
    %dma_wait3A_92 = arith.constant 0 : i32
    %dma_wait3A_93 = arith.constant 0 : i32
    %dma_wait3A_94 = tpu.memref_slice %arg6[%dma_wait3A_91, %dma_wait3A_92, %dma_wait3A_93] : memref<4x200x128xf32, #tpu.memory_space<vmem>> -> memref<1x200x128xf32, #tpu.memory_space<vmem>>
    %dma_wait3A_95 = tpu.memref_squeeze %dma_wait3A_94 : memref<1x200x128xf32, #tpu.memory_space<vmem>> -> memref<200x128xf32, #tpu.memory_space<vmem>>
    %dma_wait3A_96 = arith.constant 400 : i32
    %dma_wait3A_97 = tpu.memref_slice %arg5[%dma_wait3A_96] : memref<25600xi32, #tpu.memory_space<vmem>> -> memref<200xi32, #tpu.memory_space<vmem>>
    %dma_wait3A_98 = arith.constant 0 : i32
    %dma_wait3A_99 = arith.constant 0 : i32
    %dma_wait3A_100 = tpu.memref_slice %arg3[%dma_wait3A_98, %dma_wait3A_99] : memref<1000000x128xf32, #tpu.memory_space<hbm>> -> memref<1000000x128xf32, #tpu.memory_space<hbm>>
    tpu.wait_indirect_dma semaphore(%arg9 : memref<!tpu.dma_semaphore, #tpu.memory_space<semaphore_mem>>) src(%dma_wait3A_100 : memref<1000000x128xf32, #tpu.memory_space<hbm>>) dst(%dma_wait3A_95 : memref<200x128xf32, #tpu.memory_space<vmem>>)
    %add3A_101 = arith.constant 400 : i32
    %add3A_102 = arith.addi %mul3A_2, %add3A_101 : i32
    %dma_start3A_103 = arith.constant 2 : i32
    %dma_start3A_104 = arith.constant 0 : i32
    %dma_start3A_105 = arith.constant 0 : i32
    %dma_start3A_106 = tpu.memref_slice %arg6[%dma_start3A_103, %dma_start3A_104, %dma_start3A_105] : memref<4x200x128xf32, #tpu.memory_space<vmem>> -> memref<1x200x128xf32, #tpu.memory_space<vmem>>
    %dma_start3A_107 = tpu.memref_squeeze %dma_start3A_106 : memref<1x200x128xf32, #tpu.memory_space<vmem>> -> memref<200x128xf32, #tpu.memory_space<vmem>>
    %dma_start3A_108 = arith.constant 0 : i32
    %dma_start3A_109 = tpu.memref_slice %arg4[%add3A_102, %dma_start3A_108] : memref<819200x128xf32, #tpu.memory_space<hbm>> -> memref<200x128xf32, #tpu.memory_space<hbm>>
    %dma_start3A_110 = arith.constant 0 : i32
    %dma_start3A_111 = tpu.memref_slice %arg4[%add3A_102, %dma_start3A_110] : memref<819200x128xf32, #tpu.memory_space<hbm>> -> memref<200x128xf32, #tpu.memory_space<hbm>>
    %dma_start3A_112 = arith.constant 0 : i32
    %dma_start3A_113 = arith.constant 0 : i32
    %dma_start3A_114 = tpu.memref_slice %arg6[%dma_start3A_103, %dma_start3A_112, %dma_start3A_113] : memref<4x200x128xf32, #tpu.memory_space<vmem>> -> memref<1x200x128xf32, #tpu.memory_space<vmem>>
    %dma_start3A_115 = tpu.memref_squeeze %dma_start3A_114 : memref<1x200x128xf32, #tpu.memory_space<vmem>> -> memref<200x128xf32, #tpu.memory_space<vmem>>
    tpu.enqueue_dma source(%dma_start3A_115 : memref<200x128xf32, #tpu.memory_space<vmem>>) target(%dma_start3A_111 : memref<200x128xf32, #tpu.memory_space<hbm>>) target_semaphore(%arg13 : memref<!tpu.dma_semaphore, #tpu.memory_space<semaphore_mem>>)
    %scan3A = arith.constant 0 : i32
    %scan3A_116 = arith.constant 31 : i32
    %scan3A_117 = arith.addi %scan3A, %scan3A_116 : i32
    %scan3A_118 = arith.constant 1 : i32
    scf.for %scan3A_205 = %scan3A to %scan3A_117 step %scan3A_118  : i32 {
      %mul3A_206 = arith.constant 1 : i32
      %mul3A_207 = arith.muli %scan3A_205, %mul3A_206 : i32
      %add3A_208 = arith.constant 1 : i32
      %add3A_209 = arith.addi %add3A_208, %mul3A_207 : i32
      %mul3A_210 = arith.constant 4 : i32
      %mul3A_211 = arith.muli %add3A_209, %mul3A_210 : i32
      %add3A_212 = arith.constant 0 : i32
      %add3A_213 = arith.addi %mul3A_211, %add3A_212 : i32
      %sub3A = arith.constant 4 : i32
      %sub3A_214 = arith.subi %add3A_213, %sub3A : i32
      %mul3A_215 = arith.constant 200 : i32
      %mul3A_216 = arith.muli %sub3A_214, %mul3A_215 : i32
      %add3A_217 = arith.addi %mul3A_2, %mul3A_216 : i32
      %dma_wait3A_218 = arith.constant 0 : i32
      %dma_wait3A_219 = arith.constant 0 : i32
      %dma_wait3A_220 = arith.constant 0 : i32
      %dma_wait3A_221 = tpu.memref_slice %arg6[%dma_wait3A_218, %dma_wait3A_219, %dma_wait3A_220] : memref<4x200x128xf32, #tpu.memory_space<vmem>> -> memref<1x200x128xf32, #tpu.memory_space<vmem>>
      %dma_wait3A_222 = tpu.memref_squeeze %dma_wait3A_221 : memref<1x200x128xf32, #tpu.memory_space<vmem>> -> memref<200x128xf32, #tpu.memory_space<vmem>>
      %dma_wait3A_223 = arith.constant 0 : i32
      %dma_wait3A_224 = tpu.memref_slice %arg4[%add3A_217, %dma_wait3A_223] : memref<819200x128xf32, #tpu.memory_space<hbm>> -> memref<200x128xf32, #tpu.memory_space<hbm>>
      %dma_wait3A_225 = arith.constant 0 : i32
      %dma_wait3A_226 = tpu.memref_slice %arg4[%add3A_217, %dma_wait3A_225] : memref<819200x128xf32, #tpu.memory_space<hbm>> -> memref<200x128xf32, #tpu.memory_space<hbm>>
      %dma_wait3A_227 = arith.constant 0 : i32
      %dma_wait3A_228 = arith.constant 0 : i32
      %dma_wait3A_229 = tpu.memref_slice %arg6[%dma_wait3A_218, %dma_wait3A_227, %dma_wait3A_228] : memref<4x200x128xf32, #tpu.memory_space<vmem>> -> memref<1x200x128xf32, #tpu.memory_space<vmem>>
      %dma_wait3A_230 = tpu.memref_squeeze %dma_wait3A_229 : memref<1x200x128xf32, #tpu.memory_space<vmem>> -> memref<200x128xf32, #tpu.memory_space<vmem>>
      tpu.wait_dma2 semaphore(%arg11 : memref<!tpu.dma_semaphore, #tpu.memory_space<semaphore_mem>>) src(%dma_wait3A_230 : memref<200x128xf32, #tpu.memory_space<vmem>>) dst(%dma_wait3A_226 : memref<200x128xf32, #tpu.memory_space<hbm>>)
      %mul3A_231 = arith.constant 200 : i32
      %mul3A_232 = arith.muli %add3A_213, %mul3A_231 : i32
      %dma_start3A_233 = arith.constant 0 : i32
      %dma_start3A_234 = arith.constant 0 : i32
      %dma_start3A_235 = arith.constant 0 : i32
      %dma_start3A_236 = tpu.memref_slice %arg6[%dma_start3A_233, %dma_start3A_234, %dma_start3A_235] : memref<4x200x128xf32, #tpu.memory_space<vmem>> -> memref<1x200x128xf32, #tpu.memory_space<vmem>>
      %dma_start3A_237 = tpu.memref_squeeze %dma_start3A_236 : memref<1x200x128xf32, #tpu.memory_space<vmem>> -> memref<200x128xf32, #tpu.memory_space<vmem>>
      %dma_start3A_238 = tpu.memref_slice %arg5[%mul3A_232] : memref<25600xi32, #tpu.memory_space<vmem>> -> memref<200xi32, #tpu.memory_space<vmem>>
      %dma_start3A_239 = arith.constant 0 : i32
      %dma_start3A_240 = arith.constant 0 : i32
      %dma_start3A_241 = tpu.memref_slice %arg3[%dma_start3A_239, %dma_start3A_240] : memref<1000000x128xf32, #tpu.memory_space<hbm>> -> memref<1000000x128xf32, #tpu.memory_space<hbm>>
      tpu.enqueue_indirect_dma source(%dma_start3A_241 : memref<1000000x128xf32, #tpu.memory_space<hbm>>) target(%dma_start3A_237 : memref<200x128xf32, #tpu.memory_space<vmem>>) offsets(%dma_start3A_238 : memref<200xi32, #tpu.memory_space<vmem>>) semaphore(%arg7 : memref<!tpu.dma_semaphore, #tpu.memory_space<semaphore_mem>>)
      %sub3A_242 = arith.constant 1 : i32
      %sub3A_243 = arith.subi %add3A_213, %sub3A_242 : i32
      %mul3A_244 = arith.constant 200 : i32
      %mul3A_245 = arith.muli %sub3A_243, %mul3A_244 : i32
      %dma_wait3A_246 = arith.constant 3 : i32
      %dma_wait3A_247 = arith.constant 0 : i32
      %dma_wait3A_248 = arith.constant 0 : i32
      %dma_wait3A_249 = tpu.memref_slice %arg6[%dma_wait3A_246, %dma_wait3A_247, %dma_wait3A_248] : memref<4x200x128xf32, #tpu.memory_space<vmem>> -> memref<1x200x128xf32, #tpu.memory_space<vmem>>
      %dma_wait3A_250 = tpu.memref_squeeze %dma_wait3A_249 : memref<1x200x128xf32, #tpu.memory_space<vmem>> -> memref<200x128xf32, #tpu.memory_space<vmem>>
      %dma_wait3A_251 = tpu.memref_slice %arg5[%mul3A_245] : memref<25600xi32, #tpu.memory_space<vmem>> -> memref<200xi32, #tpu.memory_space<vmem>>
      %dma_wait3A_252 = arith.constant 0 : i32
      %dma_wait3A_253 = arith.constant 0 : i32
      %dma_wait3A_254 = tpu.memref_slice %arg3[%dma_wait3A_252, %dma_wait3A_253] : memref<1000000x128xf32, #tpu.memory_space<hbm>> -> memref<1000000x128xf32, #tpu.memory_space<hbm>>
      tpu.wait_indirect_dma semaphore(%arg10 : memref<!tpu.dma_semaphore, #tpu.memory_space<semaphore_mem>>) src(%dma_wait3A_254 : memref<1000000x128xf32, #tpu.memory_space<hbm>>) dst(%dma_wait3A_250 : memref<200x128xf32, #tpu.memory_space<vmem>>)
      %sub3A_255 = arith.constant 1 : i32
      %sub3A_256 = arith.subi %add3A_213, %sub3A_255 : i32
      %mul3A_257 = arith.constant 200 : i32
      %mul3A_258 = arith.muli %sub3A_256, %mul3A_257 : i32
      %add3A_259 = arith.addi %mul3A_2, %mul3A_258 : i32
      %dma_start3A_260 = arith.constant 3 : i32
      %dma_start3A_261 = arith.constant 0 : i32
      %dma_start3A_262 = arith.constant 0 : i32
      %dma_start3A_263 = tpu.memref_slice %arg6[%dma_start3A_260, %dma_start3A_261, %dma_start3A_262] : memref<4x200x128xf32, #tpu.memory_space<vmem>> -> memref<1x200x128xf32, #tpu.memory_space<vmem>>
      %dma_start3A_264 = tpu.memref_squeeze %dma_start3A_263 : memref<1x200x128xf32, #tpu.memory_space<vmem>> -> memref<200x128xf32, #tpu.memory_space<vmem>>
      %dma_start3A_265 = arith.constant 0 : i32
      %dma_start3A_266 = tpu.memref_slice %arg4[%add3A_259, %dma_start3A_265] : memref<819200x128xf32, #tpu.memory_space<hbm>> -> memref<200x128xf32, #tpu.memory_space<hbm>>
      %dma_start3A_267 = arith.constant 0 : i32
      %dma_start3A_268 = tpu.memref_slice %arg4[%add3A_259, %dma_start3A_267] : memref<819200x128xf32, #tpu.memory_space<hbm>> -> memref<200x128xf32, #tpu.memory_space<hbm>>
      %dma_start3A_269 = arith.constant 0 : i32
      %dma_start3A_270 = arith.constant 0 : i32
      %dma_start3A_271 = tpu.memref_slice %arg6[%dma_start3A_260, %dma_start3A_269, %dma_start3A_270] : memref<4x200x128xf32, #tpu.memory_space<vmem>> -> memref<1x200x128xf32, #tpu.memory_space<vmem>>
      %dma_start3A_272 = tpu.memref_squeeze %dma_start3A_271 : memref<1x200x128xf32, #tpu.memory_space<vmem>> -> memref<200x128xf32, #tpu.memory_space<vmem>>
      tpu.enqueue_dma source(%dma_start3A_272 : memref<200x128xf32, #tpu.memory_space<vmem>>) target(%dma_start3A_268 : memref<200x128xf32, #tpu.memory_space<hbm>>) target_semaphore(%arg14 : memref<!tpu.dma_semaphore, #tpu.memory_space<semaphore_mem>>)
      %mul3A_273 = arith.constant 4 : i32
      %mul3A_274 = arith.muli %add3A_209, %mul3A_273 : i32
      %add3A_275 = arith.constant 1 : i32
      %add3A_276 = arith.addi %mul3A_274, %add3A_275 : i32
      %sub3A_277 = arith.constant 4 : i32
      %sub3A_278 = arith.subi %add3A_276, %sub3A_277 : i32
      %mul3A_279 = arith.constant 200 : i32
      %mul3A_280 = arith.muli %sub3A_278, %mul3A_279 : i32
      %add3A_281 = arith.addi %mul3A_2, %mul3A_280 : i32
      %dma_wait3A_282 = arith.constant 1 : i32
      %dma_wait3A_283 = arith.constant 0 : i32
      %dma_wait3A_284 = arith.constant 0 : i32
      %dma_wait3A_285 = tpu.memref_slice %arg6[%dma_wait3A_282, %dma_wait3A_283, %dma_wait3A_284] : memref<4x200x128xf32, #tpu.memory_space<vmem>> -> memref<1x200x128xf32, #tpu.memory_space<vmem>>
      %dma_wait3A_286 = tpu.memref_squeeze %dma_wait3A_285 : memref<1x200x128xf32, #tpu.memory_space<vmem>> -> memref<200x128xf32, #tpu.memory_space<vmem>>
      %dma_wait3A_287 = arith.constant 0 : i32
      %dma_wait3A_288 = tpu.memref_slice %arg4[%add3A_281, %dma_wait3A_287] : memref<819200x128xf32, #tpu.memory_space<hbm>> -> memref<200x128xf32, #tpu.memory_space<hbm>>
      %dma_wait3A_289 = arith.constant 0 : i32
      %dma_wait3A_290 = tpu.memref_slice %arg4[%add3A_281, %dma_wait3A_289] : memref<819200x128xf32, #tpu.memory_space<hbm>> -> memref<200x128xf32, #tpu.memory_space<hbm>>
      %dma_wait3A_291 = arith.constant 0 : i32
      %dma_wait3A_292 = arith.constant 0 : i32
      %dma_wait3A_293 = tpu.memref_slice %arg6[%dma_wait3A_282, %dma_wait3A_291, %dma_wait3A_292] : memref<4x200x128xf32, #tpu.memory_space<vmem>> -> memref<1x200x128xf32, #tpu.memory_space<vmem>>
      %dma_wait3A_294 = tpu.memref_squeeze %dma_wait3A_293 : memref<1x200x128xf32, #tpu.memory_space<vmem>> -> memref<200x128xf32, #tpu.memory_space<vmem>>
      tpu.wait_dma2 semaphore(%arg12 : memref<!tpu.dma_semaphore, #tpu.memory_space<semaphore_mem>>) src(%dma_wait3A_294 : memref<200x128xf32, #tpu.memory_space<vmem>>) dst(%dma_wait3A_290 : memref<200x128xf32, #tpu.memory_space<hbm>>)
      %mul3A_295 = arith.constant 200 : i32
      %mul3A_296 = arith.muli %add3A_276, %mul3A_295 : i32
      %dma_start3A_297 = arith.constant 1 : i32
      %dma_start3A_298 = arith.constant 0 : i32
      %dma_start3A_299 = arith.constant 0 : i32
      %dma_start3A_300 = tpu.memref_slice %arg6[%dma_start3A_297, %dma_start3A_298, %dma_start3A_299] : memref<4x200x128xf32, #tpu.memory_space<vmem>> -> memref<1x200x128xf32, #tpu.memory_space<vmem>>
      %dma_start3A_301 = tpu.memref_squeeze %dma_start3A_300 : memref<1x200x128xf32, #tpu.memory_space<vmem>> -> memref<200x128xf32, #tpu.memory_space<vmem>>
      %dma_start3A_302 = tpu.memref_slice %arg5[%mul3A_296] : memref<25600xi32, #tpu.memory_space<vmem>> -> memref<200xi32, #tpu.memory_space<vmem>>
      %dma_start3A_303 = arith.constant 0 : i32
      %dma_start3A_304 = arith.constant 0 : i32
      %dma_start3A_305 = tpu.memref_slice %arg3[%dma_start3A_303, %dma_start3A_304] : memref<1000000x128xf32, #tpu.memory_space<hbm>> -> memref<1000000x128xf32, #tpu.memory_space<hbm>>
      tpu.enqueue_indirect_dma source(%dma_start3A_305 : memref<1000000x128xf32, #tpu.memory_space<hbm>>) target(%dma_start3A_301 : memref<200x128xf32, #tpu.memory_space<vmem>>) offsets(%dma_start3A_302 : memref<200xi32, #tpu.memory_space<vmem>>) semaphore(%arg8 : memref<!tpu.dma_semaphore, #tpu.memory_space<semaphore_mem>>)
      %sub3A_306 = arith.constant 1 : i32
      %sub3A_307 = arith.subi %add3A_276, %sub3A_306 : i32
      %mul3A_308 = arith.constant 200 : i32
      %mul3A_309 = arith.muli %sub3A_307, %mul3A_308 : i32
      %dma_wait3A_310 = arith.constant 0 : i32
      %dma_wait3A_311 = arith.constant 0 : i32
      %dma_wait3A_312 = arith.constant 0 : i32
      %dma_wait3A_313 = tpu.memref_slice %arg6[%dma_wait3A_310, %dma_wait3A_311, %dma_wait3A_312] : memref<4x200x128xf32, #tpu.memory_space<vmem>> -> memref<1x200x128xf32, #tpu.memory_space<vmem>>
      %dma_wait3A_314 = tpu.memref_squeeze %dma_wait3A_313 : memref<1x200x128xf32, #tpu.memory_space<vmem>> -> memref<200x128xf32, #tpu.memory_space<vmem>>
      %dma_wait3A_315 = tpu.memref_slice %arg5[%mul3A_309] : memref<25600xi32, #tpu.memory_space<vmem>> -> memref<200xi32, #tpu.memory_space<vmem>>
      %dma_wait3A_316 = arith.constant 0 : i32
      %dma_wait3A_317 = arith.constant 0 : i32
      %dma_wait3A_318 = tpu.memref_slice %arg3[%dma_wait3A_316, %dma_wait3A_317] : memref<1000000x128xf32, #tpu.memory_space<hbm>> -> memref<1000000x128xf32, #tpu.memory_space<hbm>>
      tpu.wait_indirect_dma semaphore(%arg7 : memref<!tpu.dma_semaphore, #tpu.memory_space<semaphore_mem>>) src(%dma_wait3A_318 : memref<1000000x128xf32, #tpu.memory_space<hbm>>) dst(%dma_wait3A_314 : memref<200x128xf32, #tpu.memory_space<vmem>>)
      %sub3A_319 = arith.constant 1 : i32
      %sub3A_320 = arith.subi %add3A_276, %sub3A_319 : i32
      %mul3A_321 = arith.constant 200 : i32
      %mul3A_322 = arith.muli %sub3A_320, %mul3A_321 : i32
      %add3A_323 = arith.addi %mul3A_2, %mul3A_322 : i32
      %dma_start3A_324 = arith.constant 0 : i32
      %dma_start3A_325 = arith.constant 0 : i32
      %dma_start3A_326 = arith.constant 0 : i32
      %dma_start3A_327 = tpu.memref_slice %arg6[%dma_start3A_324, %dma_start3A_325, %dma_start3A_326] : memref<4x200x128xf32, #tpu.memory_space<vmem>> -> memref<1x200x128xf32, #tpu.memory_space<vmem>>
      %dma_start3A_328 = tpu.memref_squeeze %dma_start3A_327 : memref<1x200x128xf32, #tpu.memory_space<vmem>> -> memref<200x128xf32, #tpu.memory_space<vmem>>
      %dma_start3A_329 = arith.constant 0 : i32
      %dma_start3A_330 = tpu.memref_slice %arg4[%add3A_323, %dma_start3A_329] : memref<819200x128xf32, #tpu.memory_space<hbm>> -> memref<200x128xf32, #tpu.memory_space<hbm>>
      %dma_start3A_331 = arith.constant 0 : i32
      %dma_start3A_332 = tpu.memref_slice %arg4[%add3A_323, %dma_start3A_331] : memref<819200x128xf32, #tpu.memory_space<hbm>> -> memref<200x128xf32, #tpu.memory_space<hbm>>
      %dma_start3A_333 = arith.constant 0 : i32
      %dma_start3A_334 = arith.constant 0 : i32
      %dma_start3A_335 = tpu.memref_slice %arg6[%dma_start3A_324, %dma_start3A_333, %dma_start3A_334] : memref<4x200x128xf32, #tpu.memory_space<vmem>> -> memref<1x200x128xf32, #tpu.memory_space<vmem>>
      %dma_start3A_336 = tpu.memref_squeeze %dma_start3A_335 : memref<1x200x128xf32, #tpu.memory_space<vmem>> -> memref<200x128xf32, #tpu.memory_space<vmem>>
      tpu.enqueue_dma source(%dma_start3A_336 : memref<200x128xf32, #tpu.memory_space<vmem>>) target(%dma_start3A_332 : memref<200x128xf32, #tpu.memory_space<hbm>>) target_semaphore(%arg11 : memref<!tpu.dma_semaphore, #tpu.memory_space<semaphore_mem>>)
      %mul3A_337 = arith.constant 4 : i32
      %mul3A_338 = arith.muli %add3A_209, %mul3A_337 : i32
      %add3A_339 = arith.constant 2 : i32
      %add3A_340 = arith.addi %mul3A_338, %add3A_339 : i32
      %sub3A_341 = arith.constant 4 : i32
      %sub3A_342 = arith.subi %add3A_340, %sub3A_341 : i32
      %mul3A_343 = arith.constant 200 : i32
      %mul3A_344 = arith.muli %sub3A_342, %mul3A_343 : i32
      %add3A_345 = arith.addi %mul3A_2, %mul3A_344 : i32
      %dma_wait3A_346 = arith.constant 2 : i32
      %dma_wait3A_347 = arith.constant 0 : i32
      %dma_wait3A_348 = arith.constant 0 : i32
      %dma_wait3A_349 = tpu.memref_slice %arg6[%dma_wait3A_346, %dma_wait3A_347, %dma_wait3A_348] : memref<4x200x128xf32, #tpu.memory_space<vmem>> -> memref<1x200x128xf32, #tpu.memory_space<vmem>>
      %dma_wait3A_350 = tpu.memref_squeeze %dma_wait3A_349 : memref<1x200x128xf32, #tpu.memory_space<vmem>> -> memref<200x128xf32, #tpu.memory_space<vmem>>
      %dma_wait3A_351 = arith.constant 0 : i32
      %dma_wait3A_352 = tpu.memref_slice %arg4[%add3A_345, %dma_wait3A_351] : memref<819200x128xf32, #tpu.memory_space<hbm>> -> memref<200x128xf32, #tpu.memory_space<hbm>>
      %dma_wait3A_353 = arith.constant 0 : i32
      %dma_wait3A_354 = tpu.memref_slice %arg4[%add3A_345, %dma_wait3A_353] : memref<819200x128xf32, #tpu.memory_space<hbm>> -> memref<200x128xf32, #tpu.memory_space<hbm>>
      %dma_wait3A_355 = arith.constant 0 : i32
      %dma_wait3A_356 = arith.constant 0 : i32
      %dma_wait3A_357 = tpu.memref_slice %arg6[%dma_wait3A_346, %dma_wait3A_355, %dma_wait3A_356] : memref<4x200x128xf32, #tpu.memory_space<vmem>> -> memref<1x200x128xf32, #tpu.memory_space<vmem>>
      %dma_wait3A_358 = tpu.memref_squeeze %dma_wait3A_357 : memref<1x200x128xf32, #tpu.memory_space<vmem>> -> memref<200x128xf32, #tpu.memory_space<vmem>>
      tpu.wait_dma2 semaphore(%arg13 : memref<!tpu.dma_semaphore, #tpu.memory_space<semaphore_mem>>) src(%dma_wait3A_358 : memref<200x128xf32, #tpu.memory_space<vmem>>) dst(%dma_wait3A_354 : memref<200x128xf32, #tpu.memory_space<hbm>>)
      %mul3A_359 = arith.constant 200 : i32
      %mul3A_360 = arith.muli %add3A_340, %mul3A_359 : i32
      %dma_start3A_361 = arith.constant 2 : i32
      %dma_start3A_362 = arith.constant 0 : i32
      %dma_start3A_363 = arith.constant 0 : i32
      %dma_start3A_364 = tpu.memref_slice %arg6[%dma_start3A_361, %dma_start3A_362, %dma_start3A_363] : memref<4x200x128xf32, #tpu.memory_space<vmem>> -> memref<1x200x128xf32, #tpu.memory_space<vmem>>
      %dma_start3A_365 = tpu.memref_squeeze %dma_start3A_364 : memref<1x200x128xf32, #tpu.memory_space<vmem>> -> memref<200x128xf32, #tpu.memory_space<vmem>>
      %dma_start3A_366 = tpu.memref_slice %arg5[%mul3A_360] : memref<25600xi32, #tpu.memory_space<vmem>> -> memref<200xi32, #tpu.memory_space<vmem>>
      %dma_start3A_367 = arith.constant 0 : i32
      %dma_start3A_368 = arith.constant 0 : i32
      %dma_start3A_369 = tpu.memref_slice %arg3[%dma_start3A_367, %dma_start3A_368] : memref<1000000x128xf32, #tpu.memory_space<hbm>> -> memref<1000000x128xf32, #tpu.memory_space<hbm>>
      tpu.enqueue_indirect_dma source(%dma_start3A_369 : memref<1000000x128xf32, #tpu.memory_space<hbm>>) target(%dma_start3A_365 : memref<200x128xf32, #tpu.memory_space<vmem>>) offsets(%dma_start3A_366 : memref<200xi32, #tpu.memory_space<vmem>>) semaphore(%arg9 : memref<!tpu.dma_semaphore, #tpu.memory_space<semaphore_mem>>)
      %sub3A_370 = arith.constant 1 : i32
      %sub3A_371 = arith.subi %add3A_340, %sub3A_370 : i32
      %mul3A_372 = arith.constant 200 : i32
      %mul3A_373 = arith.muli %sub3A_371, %mul3A_372 : i32
      %dma_wait3A_374 = arith.constant 1 : i32
      %dma_wait3A_375 = arith.constant 0 : i32
      %dma_wait3A_376 = arith.constant 0 : i32
      %dma_wait3A_377 = tpu.memref_slice %arg6[%dma_wait3A_374, %dma_wait3A_375, %dma_wait3A_376] : memref<4x200x128xf32, #tpu.memory_space<vmem>> -> memref<1x200x128xf32, #tpu.memory_space<vmem>>
      %dma_wait3A_378 = tpu.memref_squeeze %dma_wait3A_377 : memref<1x200x128xf32, #tpu.memory_space<vmem>> -> memref<200x128xf32, #tpu.memory_space<vmem>>
      %dma_wait3A_379 = tpu.memref_slice %arg5[%mul3A_373] : memref<25600xi32, #tpu.memory_space<vmem>> -> memref<200xi32, #tpu.memory_space<vmem>>
      %dma_wait3A_380 = arith.constant 0 : i32
      %dma_wait3A_381 = arith.constant 0 : i32
      %dma_wait3A_382 = tpu.memref_slice %arg3[%dma_wait3A_380, %dma_wait3A_381] : memref<1000000x128xf32, #tpu.memory_space<hbm>> -> memref<1000000x128xf32, #tpu.memory_space<hbm>>
      tpu.wait_indirect_dma semaphore(%arg8 : memref<!tpu.dma_semaphore, #tpu.memory_space<semaphore_mem>>) src(%dma_wait3A_382 : memref<1000000x128xf32, #tpu.memory_space<hbm>>) dst(%dma_wait3A_378 : memref<200x128xf32, #tpu.memory_space<vmem>>)
      %sub3A_383 = arith.constant 1 : i32
      %sub3A_384 = arith.subi %add3A_340, %sub3A_383 : i32
      %mul3A_385 = arith.constant 200 : i32
      %mul3A_386 = arith.muli %sub3A_384, %mul3A_385 : i32
      %add3A_387 = arith.addi %mul3A_2, %mul3A_386 : i32
      %dma_start3A_388 = arith.constant 1 : i32
      %dma_start3A_389 = arith.constant 0 : i32
      %dma_start3A_390 = arith.constant 0 : i32
      %dma_start3A_391 = tpu.memref_slice %arg6[%dma_start3A_388, %dma_start3A_389, %dma_start3A_390] : memref<4x200x128xf32, #tpu.memory_space<vmem>> -> memref<1x200x128xf32, #tpu.memory_space<vmem>>
      %dma_start3A_392 = tpu.memref_squeeze %dma_start3A_391 : memref<1x200x128xf32, #tpu.memory_space<vmem>> -> memref<200x128xf32, #tpu.memory_space<vmem>>
      %dma_start3A_393 = arith.constant 0 : i32
      %dma_start3A_394 = tpu.memref_slice %arg4[%add3A_387, %dma_start3A_393] : memref<819200x128xf32, #tpu.memory_space<hbm>> -> memref<200x128xf32, #tpu.memory_space<hbm>>
      %dma_start3A_395 = arith.constant 0 : i32
      %dma_start3A_396 = tpu.memref_slice %arg4[%add3A_387, %dma_start3A_395] : memref<819200x128xf32, #tpu.memory_space<hbm>> -> memref<200x128xf32, #tpu.memory_space<hbm>>
      %dma_start3A_397 = arith.constant 0 : i32
      %dma_start3A_398 = arith.constant 0 : i32
      %dma_start3A_399 = tpu.memref_slice %arg6[%dma_start3A_388, %dma_start3A_397, %dma_start3A_398] : memref<4x200x128xf32, #tpu.memory_space<vmem>> -> memref<1x200x128xf32, #tpu.memory_space<vmem>>
      %dma_start3A_400 = tpu.memref_squeeze %dma_start3A_399 : memref<1x200x128xf32, #tpu.memory_space<vmem>> -> memref<200x128xf32, #tpu.memory_space<vmem>>
      tpu.enqueue_dma source(%dma_start3A_400 : memref<200x128xf32, #tpu.memory_space<vmem>>) target(%dma_start3A_396 : memref<200x128xf32, #tpu.memory_space<hbm>>) target_semaphore(%arg12 : memref<!tpu.dma_semaphore, #tpu.memory_space<semaphore_mem>>)
      %mul3A_401 = arith.constant 4 : i32
      %mul3A_402 = arith.muli %add3A_209, %mul3A_401 : i32
      %add3A_403 = arith.constant 3 : i32
      %add3A_404 = arith.addi %mul3A_402, %add3A_403 : i32
      %sub3A_405 = arith.constant 4 : i32
      %sub3A_406 = arith.subi %add3A_404, %sub3A_405 : i32
      %mul3A_407 = arith.constant 200 : i32
      %mul3A_408 = arith.muli %sub3A_406, %mul3A_407 : i32
      %add3A_409 = arith.addi %mul3A_2, %mul3A_408 : i32
      %dma_wait3A_410 = arith.constant 3 : i32
      %dma_wait3A_411 = arith.constant 0 : i32
      %dma_wait3A_412 = arith.constant 0 : i32
      %dma_wait3A_413 = tpu.memref_slice %arg6[%dma_wait3A_410, %dma_wait3A_411, %dma_wait3A_412] : memref<4x200x128xf32, #tpu.memory_space<vmem>> -> memref<1x200x128xf32, #tpu.memory_space<vmem>>
      %dma_wait3A_414 = tpu.memref_squeeze %dma_wait3A_413 : memref<1x200x128xf32, #tpu.memory_space<vmem>> -> memref<200x128xf32, #tpu.memory_space<vmem>>
      %dma_wait3A_415 = arith.constant 0 : i32
      %dma_wait3A_416 = tpu.memref_slice %arg4[%add3A_409, %dma_wait3A_415] : memref<819200x128xf32, #tpu.memory_space<hbm>> -> memref<200x128xf32, #tpu.memory_space<hbm>>
      %dma_wait3A_417 = arith.constant 0 : i32
      %dma_wait3A_418 = tpu.memref_slice %arg4[%add3A_409, %dma_wait3A_417] : memref<819200x128xf32, #tpu.memory_space<hbm>> -> memref<200x128xf32, #tpu.memory_space<hbm>>
      %dma_wait3A_419 = arith.constant 0 : i32
      %dma_wait3A_420 = arith.constant 0 : i32
      %dma_wait3A_421 = tpu.memref_slice %arg6[%dma_wait3A_410, %dma_wait3A_419, %dma_wait3A_420] : memref<4x200x128xf32, #tpu.memory_space<vmem>> -> memref<1x200x128xf32, #tpu.memory_space<vmem>>
      %dma_wait3A_422 = tpu.memref_squeeze %dma_wait3A_421 : memref<1x200x128xf32, #tpu.memory_space<vmem>> -> memref<200x128xf32, #tpu.memory_space<vmem>>
      tpu.wait_dma2 semaphore(%arg14 : memref<!tpu.dma_semaphore, #tpu.memory_space<semaphore_mem>>) src(%dma_wait3A_422 : memref<200x128xf32, #tpu.memory_space<vmem>>) dst(%dma_wait3A_418 : memref<200x128xf32, #tpu.memory_space<hbm>>)
      %mul3A_423 = arith.constant 200 : i32
      %mul3A_424 = arith.muli %add3A_404, %mul3A_423 : i32
      %dma_start3A_425 = arith.constant 3 : i32
      %dma_start3A_426 = arith.constant 0 : i32
      %dma_start3A_427 = arith.constant 0 : i32
      %dma_start3A_428 = tpu.memref_slice %arg6[%dma_start3A_425, %dma_start3A_426, %dma_start3A_427] : memref<4x200x128xf32, #tpu.memory_space<vmem>> -> memref<1x200x128xf32, #tpu.memory_space<vmem>>
      %dma_start3A_429 = tpu.memref_squeeze %dma_start3A_428 : memref<1x200x128xf32, #tpu.memory_space<vmem>> -> memref<200x128xf32, #tpu.memory_space<vmem>>
      %dma_start3A_430 = tpu.memref_slice %arg5[%mul3A_424] : memref<25600xi32, #tpu.memory_space<vmem>> -> memref<200xi32, #tpu.memory_space<vmem>>
      %dma_start3A_431 = arith.constant 0 : i32
      %dma_start3A_432 = arith.constant 0 : i32
      %dma_start3A_433 = tpu.memref_slice %arg3[%dma_start3A_431, %dma_start3A_432] : memref<1000000x128xf32, #tpu.memory_space<hbm>> -> memref<1000000x128xf32, #tpu.memory_space<hbm>>
      tpu.enqueue_indirect_dma source(%dma_start3A_433 : memref<1000000x128xf32, #tpu.memory_space<hbm>>) target(%dma_start3A_429 : memref<200x128xf32, #tpu.memory_space<vmem>>) offsets(%dma_start3A_430 : memref<200xi32, #tpu.memory_space<vmem>>) semaphore(%arg10 : memref<!tpu.dma_semaphore, #tpu.memory_space<semaphore_mem>>)
      %sub3A_434 = arith.constant 1 : i32
      %sub3A_435 = arith.subi %add3A_404, %sub3A_434 : i32
      %mul3A_436 = arith.constant 200 : i32
      %mul3A_437 = arith.muli %sub3A_435, %mul3A_436 : i32
      %dma_wait3A_438 = arith.constant 2 : i32
      %dma_wait3A_439 = arith.constant 0 : i32
      %dma_wait3A_440 = arith.constant 0 : i32
      %dma_wait3A_441 = tpu.memref_slice %arg6[%dma_wait3A_438, %dma_wait3A_439, %dma_wait3A_440] : memref<4x200x128xf32, #tpu.memory_space<vmem>> -> memref<1x200x128xf32, #tpu.memory_space<vmem>>
      %dma_wait3A_442 = tpu.memref_squeeze %dma_wait3A_441 : memref<1x200x128xf32, #tpu.memory_space<vmem>> -> memref<200x128xf32, #tpu.memory_space<vmem>>
      %dma_wait3A_443 = tpu.memref_slice %arg5[%mul3A_437] : memref<25600xi32, #tpu.memory_space<vmem>> -> memref<200xi32, #tpu.memory_space<vmem>>
      %dma_wait3A_444 = arith.constant 0 : i32
      %dma_wait3A_445 = arith.constant 0 : i32
      %dma_wait3A_446 = tpu.memref_slice %arg3[%dma_wait3A_444, %dma_wait3A_445] : memref<1000000x128xf32, #tpu.memory_space<hbm>> -> memref<1000000x128xf32, #tpu.memory_space<hbm>>
      tpu.wait_indirect_dma semaphore(%arg9 : memref<!tpu.dma_semaphore, #tpu.memory_space<semaphore_mem>>) src(%dma_wait3A_446 : memref<1000000x128xf32, #tpu.memory_space<hbm>>) dst(%dma_wait3A_442 : memref<200x128xf32, #tpu.memory_space<vmem>>)
      %sub3A_447 = arith.constant 1 : i32
      %sub3A_448 = arith.subi %add3A_404, %sub3A_447 : i32
      %mul3A_449 = arith.constant 200 : i32
      %mul3A_450 = arith.muli %sub3A_448, %mul3A_449 : i32
      %add3A_451 = arith.addi %mul3A_2, %mul3A_450 : i32
      %dma_start3A_452 = arith.constant 2 : i32
      %dma_start3A_453 = arith.constant 0 : i32
      %dma_start3A_454 = arith.constant 0 : i32
      %dma_start3A_455 = tpu.memref_slice %arg6[%dma_start3A_452, %dma_start3A_453, %dma_start3A_454] : memref<4x200x128xf32, #tpu.memory_space<vmem>> -> memref<1x200x128xf32, #tpu.memory_space<vmem>>
      %dma_start3A_456 = tpu.memref_squeeze %dma_start3A_455 : memref<1x200x128xf32, #tpu.memory_space<vmem>> -> memref<200x128xf32, #tpu.memory_space<vmem>>
      %dma_start3A_457 = arith.constant 0 : i32
      %dma_start3A_458 = tpu.memref_slice %arg4[%add3A_451, %dma_start3A_457] : memref<819200x128xf32, #tpu.memory_space<hbm>> -> memref<200x128xf32, #tpu.memory_space<hbm>>
      %dma_start3A_459 = arith.constant 0 : i32
      %dma_start3A_460 = tpu.memref_slice %arg4[%add3A_451, %dma_start3A_459] : memref<819200x128xf32, #tpu.memory_space<hbm>> -> memref<200x128xf32, #tpu.memory_space<hbm>>
      %dma_start3A_461 = arith.constant 0 : i32
      %dma_start3A_462 = arith.constant 0 : i32
      %dma_start3A_463 = tpu.memref_slice %arg6[%dma_start3A_452, %dma_start3A_461, %dma_start3A_462] : memref<4x200x128xf32, #tpu.memory_space<vmem>> -> memref<1x200x128xf32, #tpu.memory_space<vmem>>
      %dma_start3A_464 = tpu.memref_squeeze %dma_start3A_463 : memref<1x200x128xf32, #tpu.memory_space<vmem>> -> memref<200x128xf32, #tpu.memory_space<vmem>>
      tpu.enqueue_dma source(%dma_start3A_464 : memref<200x128xf32, #tpu.memory_space<vmem>>) target(%dma_start3A_460 : memref<200x128xf32, #tpu.memory_space<hbm>>) target_semaphore(%arg13 : memref<!tpu.dma_semaphore, #tpu.memory_space<semaphore_mem>>)
    }
    %scan3A_119 = arith.constant 31 : i32
    %dma_wait3A_120 = arith.constant 3 : i32
    %dma_wait3A_121 = arith.constant 0 : i32
    %dma_wait3A_122 = arith.constant 0 : i32
    %dma_wait3A_123 = tpu.memref_slice %arg6[%dma_wait3A_120, %dma_wait3A_121, %dma_wait3A_122] : memref<4x200x128xf32, #tpu.memory_space<vmem>> -> memref<1x200x128xf32, #tpu.memory_space<vmem>>
    %dma_wait3A_124 = tpu.memref_squeeze %dma_wait3A_123 : memref<1x200x128xf32, #tpu.memory_space<vmem>> -> memref<200x128xf32, #tpu.memory_space<vmem>>
    %dma_wait3A_125 = arith.constant 25400 : i32
    %dma_wait3A_126 = tpu.memref_slice %arg5[%dma_wait3A_125] : memref<25600xi32, #tpu.memory_space<vmem>> -> memref<200xi32, #tpu.memory_space<vmem>>
    %dma_wait3A_127 = arith.constant 0 : i32
    %dma_wait3A_128 = arith.constant 0 : i32
    %dma_wait3A_129 = tpu.memref_slice %arg3[%dma_wait3A_127, %dma_wait3A_128] : memref<1000000x128xf32, #tpu.memory_space<hbm>> -> memref<1000000x128xf32, #tpu.memory_space<hbm>>
    tpu.wait_indirect_dma semaphore(%arg10 : memref<!tpu.dma_semaphore, #tpu.memory_space<semaphore_mem>>) src(%dma_wait3A_129 : memref<1000000x128xf32, #tpu.memory_space<hbm>>) dst(%dma_wait3A_124 : memref<200x128xf32, #tpu.memory_space<vmem>>)
    %add3A_130 = arith.constant 25400 : i32
    %add3A_131 = arith.addi %mul3A_2, %add3A_130 : i32
    %dma_start3A_132 = arith.constant 3 : i32
    %dma_start3A_133 = arith.constant 0 : i32
    %dma_start3A_134 = arith.constant 0 : i32
    %dma_start3A_135 = tpu.memref_slice %arg6[%dma_start3A_132, %dma_start3A_133, %dma_start3A_134] : memref<4x200x128xf32, #tpu.memory_space<vmem>> -> memref<1x200x128xf32, #tpu.memory_space<vmem>>
    %dma_start3A_136 = tpu.memref_squeeze %dma_start3A_135 : memref<1x200x128xf32, #tpu.memory_space<vmem>> -> memref<200x128xf32, #tpu.memory_space<vmem>>
    %dma_start3A_137 = arith.constant 0 : i32
    %dma_start3A_138 = tpu.memref_slice %arg4[%add3A_131, %dma_start3A_137] : memref<819200x128xf32, #tpu.memory_space<hbm>> -> memref<200x128xf32, #tpu.memory_space<hbm>>
    %dma_start3A_139 = arith.constant 0 : i32
    %dma_start3A_140 = tpu.memref_slice %arg4[%add3A_131, %dma_start3A_139] : memref<819200x128xf32, #tpu.memory_space<hbm>> -> memref<200x128xf32, #tpu.memory_space<hbm>>
    %dma_start3A_141 = arith.constant 0 : i32
    %dma_start3A_142 = arith.constant 0 : i32
    %dma_start3A_143 = tpu.memref_slice %arg6[%dma_start3A_132, %dma_start3A_141, %dma_start3A_142] : memref<4x200x128xf32, #tpu.memory_space<vmem>> -> memref<1x200x128xf32, #tpu.memory_space<vmem>>
    %dma_start3A_144 = tpu.memref_squeeze %dma_start3A_143 : memref<1x200x128xf32, #tpu.memory_space<vmem>> -> memref<200x128xf32, #tpu.memory_space<vmem>>
    tpu.enqueue_dma source(%dma_start3A_144 : memref<200x128xf32, #tpu.memory_space<vmem>>) target(%dma_start3A_140 : memref<200x128xf32, #tpu.memory_space<hbm>>) target_semaphore(%arg14 : memref<!tpu.dma_semaphore, #tpu.memory_space<semaphore_mem>>)
    %add3A_145 = arith.constant 24800 : i32
    %add3A_146 = arith.addi %mul3A_2, %add3A_145 : i32
    %dma_wait3A_147 = arith.constant 0 : i32
    %dma_wait3A_148 = arith.constant 0 : i32
    %dma_wait3A_149 = arith.constant 0 : i32
    %dma_wait3A_150 = tpu.memref_slice %arg6[%dma_wait3A_147, %dma_wait3A_148, %dma_wait3A_149] : memref<4x200x128xf32, #tpu.memory_space<vmem>> -> memref<1x200x128xf32, #tpu.memory_space<vmem>>
    %dma_wait3A_151 = tpu.memref_squeeze %dma_wait3A_150 : memref<1x200x128xf32, #tpu.memory_space<vmem>> -> memref<200x128xf32, #tpu.memory_space<vmem>>
    %dma_wait3A_152 = arith.constant 0 : i32
    %dma_wait3A_153 = tpu.memref_slice %arg4[%add3A_146, %dma_wait3A_152] : memref<819200x128xf32, #tpu.memory_space<hbm>> -> memref<200x128xf32, #tpu.memory_space<hbm>>
    %dma_wait3A_154 = arith.constant 0 : i32
    %dma_wait3A_155 = tpu.memref_slice %arg4[%add3A_146, %dma_wait3A_154] : memref<819200x128xf32, #tpu.memory_space<hbm>> -> memref<200x128xf32, #tpu.memory_space<hbm>>
    %dma_wait3A_156 = arith.constant 0 : i32
    %dma_wait3A_157 = arith.constant 0 : i32
    %dma_wait3A_158 = tpu.memref_slice %arg6[%dma_wait3A_147, %dma_wait3A_156, %dma_wait3A_157] : memref<4x200x128xf32, #tpu.memory_space<vmem>> -> memref<1x200x128xf32, #tpu.memory_space<vmem>>
    %dma_wait3A_159 = tpu.memref_squeeze %dma_wait3A_158 : memref<1x200x128xf32, #tpu.memory_space<vmem>> -> memref<200x128xf32, #tpu.memory_space<vmem>>
    tpu.wait_dma2 semaphore(%arg11 : memref<!tpu.dma_semaphore, #tpu.memory_space<semaphore_mem>>) src(%dma_wait3A_159 : memref<200x128xf32, #tpu.memory_space<vmem>>) dst(%dma_wait3A_155 : memref<200x128xf32, #tpu.memory_space<hbm>>)
    %add3A_160 = arith.constant 25000 : i32
    %add3A_161 = arith.addi %mul3A_2, %add3A_160 : i32
    %dma_wait3A_162 = arith.constant 1 : i32
    %dma_wait3A_163 = arith.constant 0 : i32
    %dma_wait3A_164 = arith.constant 0 : i32
    %dma_wait3A_165 = tpu.memref_slice %arg6[%dma_wait3A_162, %dma_wait3A_163, %dma_wait3A_164] : memref<4x200x128xf32, #tpu.memory_space<vmem>> -> memref<1x200x128xf32, #tpu.memory_space<vmem>>
    %dma_wait3A_166 = tpu.memref_squeeze %dma_wait3A_165 : memref<1x200x128xf32, #tpu.memory_space<vmem>> -> memref<200x128xf32, #tpu.memory_space<vmem>>
    %dma_wait3A_167 = arith.constant 0 : i32
    %dma_wait3A_168 = tpu.memref_slice %arg4[%add3A_161, %dma_wait3A_167] : memref<819200x128xf32, #tpu.memory_space<hbm>> -> memref<200x128xf32, #tpu.memory_space<hbm>>
    %dma_wait3A_169 = arith.constant 0 : i32
    %dma_wait3A_170 = tpu.memref_slice %arg4[%add3A_161, %dma_wait3A_169] : memref<819200x128xf32, #tpu.memory_space<hbm>> -> memref<200x128xf32, #tpu.memory_space<hbm>>
    %dma_wait3A_171 = arith.constant 0 : i32
    %dma_wait3A_172 = arith.constant 0 : i32
    %dma_wait3A_173 = tpu.memref_slice %arg6[%dma_wait3A_162, %dma_wait3A_171, %dma_wait3A_172] : memref<4x200x128xf32, #tpu.memory_space<vmem>> -> memref<1x200x128xf32, #tpu.memory_space<vmem>>
    %dma_wait3A_174 = tpu.memref_squeeze %dma_wait3A_173 : memref<1x200x128xf32, #tpu.memory_space<vmem>> -> memref<200x128xf32, #tpu.memory_space<vmem>>
    tpu.wait_dma2 semaphore(%arg12 : memref<!tpu.dma_semaphore, #tpu.memory_space<semaphore_mem>>) src(%dma_wait3A_174 : memref<200x128xf32, #tpu.memory_space<vmem>>) dst(%dma_wait3A_170 : memref<200x128xf32, #tpu.memory_space<hbm>>)
    %add3A_175 = arith.constant 25200 : i32
    %add3A_176 = arith.addi %mul3A_2, %add3A_175 : i32
    %dma_wait3A_177 = arith.constant 2 : i32
    %dma_wait3A_178 = arith.constant 0 : i32
    %dma_wait3A_179 = arith.constant 0 : i32
    %dma_wait3A_180 = tpu.memref_slice %arg6[%dma_wait3A_177, %dma_wait3A_178, %dma_wait3A_179] : memref<4x200x128xf32, #tpu.memory_space<vmem>> -> memref<1x200x128xf32, #tpu.memory_space<vmem>>
    %dma_wait3A_181 = tpu.memref_squeeze %dma_wait3A_180 : memref<1x200x128xf32, #tpu.memory_space<vmem>> -> memref<200x128xf32, #tpu.memory_space<vmem>>
    %dma_wait3A_182 = arith.constant 0 : i32
    %dma_wait3A_183 = tpu.memref_slice %arg4[%add3A_176, %dma_wait3A_182] : memref<819200x128xf32, #tpu.memory_space<hbm>> -> memref<200x128xf32, #tpu.memory_space<hbm>>
    %dma_wait3A_184 = arith.constant 0 : i32
    %dma_wait3A_185 = tpu.memref_slice %arg4[%add3A_176, %dma_wait3A_184] : memref<819200x128xf32, #tpu.memory_space<hbm>> -> memref<200x128xf32, #tpu.memory_space<hbm>>
    %dma_wait3A_186 = arith.constant 0 : i32
    %dma_wait3A_187 = arith.constant 0 : i32
    %dma_wait3A_188 = tpu.memref_slice %arg6[%dma_wait3A_177, %dma_wait3A_186, %dma_wait3A_187] : memref<4x200x128xf32, #tpu.memory_space<vmem>> -> memref<1x200x128xf32, #tpu.memory_space<vmem>>
    %dma_wait3A_189 = tpu.memref_squeeze %dma_wait3A_188 : memref<1x200x128xf32, #tpu.memory_space<vmem>> -> memref<200x128xf32, #tpu.memory_space<vmem>>
    tpu.wait_dma2 semaphore(%arg13 : memref<!tpu.dma_semaphore, #tpu.memory_space<semaphore_mem>>) src(%dma_wait3A_189 : memref<200x128xf32, #tpu.memory_space<vmem>>) dst(%dma_wait3A_185 : memref<200x128xf32, #tpu.memory_space<hbm>>)
    %add3A_190 = arith.constant 25400 : i32
    %add3A_191 = arith.addi %mul3A_2, %add3A_190 : i32
    %dma_wait3A_192 = arith.constant 3 : i32
    %dma_wait3A_193 = arith.constant 0 : i32
    %dma_wait3A_194 = arith.constant 0 : i32
    %dma_wait3A_195 = tpu.memref_slice %arg6[%dma_wait3A_192, %dma_wait3A_193, %dma_wait3A_194] : memref<4x200x128xf32, #tpu.memory_space<vmem>> -> memref<1x200x128xf32, #tpu.memory_space<vmem>>
    %dma_wait3A_196 = tpu.memref_squeeze %dma_wait3A_195 : memref<1x200x128xf32, #tpu.memory_space<vmem>> -> memref<200x128xf32, #tpu.memory_space<vmem>>
    %dma_wait3A_197 = arith.constant 0 : i32
    %dma_wait3A_198 = tpu.memref_slice %arg4[%add3A_191, %dma_wait3A_197] : memref<819200x128xf32, #tpu.memory_space<hbm>> -> memref<200x128xf32, #tpu.memory_space<hbm>>
    %dma_wait3A_199 = arith.constant 0 : i32
    %dma_wait3A_200 = tpu.memref_slice %arg4[%add3A_191, %dma_wait3A_199] : memref<819200x128xf32, #tpu.memory_space<hbm>> -> memref<200x128xf32, #tpu.memory_space<hbm>>
    %dma_wait3A_201 = arith.constant 0 : i32
    %dma_wait3A_202 = arith.constant 0 : i32
    %dma_wait3A_203 = tpu.memref_slice %arg6[%dma_wait3A_192, %dma_wait3A_201, %dma_wait3A_202] : memref<4x200x128xf32, #tpu.memory_space<vmem>> -> memref<1x200x128xf32, #tpu.memory_space<vmem>>
    %dma_wait3A_204 = tpu.memref_squeeze %dma_wait3A_203 : memref<1x200x128xf32, #tpu.memory_space<vmem>> -> memref<200x128xf32, #tpu.memory_space<vmem>>
    tpu.wait_dma2 semaphore(%arg14 : memref<!tpu.dma_semaphore, #tpu.memory_space<semaphore_mem>>) src(%dma_wait3A_204 : memref<200x128xf32, #tpu.memory_space<vmem>>) dst(%dma_wait3A_200 : memref<200x128xf32, #tpu.memory_space<hbm>>)
    return
  }
}

module attributes {stable_mosaic.version = 14 : i64} {
  func.func @_out_body(%arg0: i32, %arg1: i32, %arg2: memref<1x16384x128xf32, #tpu.memory_space<vmem>>, %arg3: memref<1x64x16384xf32, #tpu.memory_space<vmem>>) attributes {dimension_semantics = [#tpu.dimension_semantics<arbitrary>, #tpu.dimension_semantics<arbitrary>], iteration_bounds = array<i64: 50, 1>, scalar_prefetch = 0 : i64, scratch_operands = 0 : i64, tpu.core_type = #tpu.core_type<tc>, window_params = [{transform_indices = @transform_0, window_bounds = array<i64: 1, 16384, 128>}, {transform_indices = @transform_1, window_bounds = array<i64: 1, 64, 16384>}]} {
    %get3A = arith.constant 0 : index
    %get3A_0 = arith.constant 0 : index
    %get3A_1 = arith.constant 0 : index
    %get3A_2 = vector.load %arg2[%get3A, %get3A_0, %get3A_1] : memref<1x16384x128xf32, #tpu.memory_space<vmem>>, vector<1x16384x128xf32>
    %get3A_3 = vector.shape_cast %get3A_2 : vector<1x16384x128xf32> to vector<16384x128xf32>
    %transpose3A = tpu.transpose %get3A_3, [1, 0] : vector<16384x128xf32> -> vector<128x16384xf32>
    %slice3A = vector.extract_strided_slice %transpose3A {offsets = [0, 0], sizes = [64, 16384], strides = [1, 1]} : vector<128x16384xf32> to vector<64x16384xf32>
    %swap3A = arith.constant 0 : index
    %swap3A_4 = arith.constant 0 : index
    %swap3A_5 = arith.constant 0 : index
    %swap3A_6 = vector.load %arg3[%swap3A, %swap3A_4, %swap3A_5] : memref<1x64x16384xf32, #tpu.memory_space<vmem>>, vector<1x64x16384xf32>
    %swap3A_7 = vector.shape_cast %swap3A_6 : vector<1x64x16384xf32> to vector<64x16384xf32>
    %swap3A_8 = vector.shape_cast %slice3A : vector<64x16384xf32> to vector<1x64x16384xf32>
    tpu.vector_store %arg3[%swap3A, %swap3A_4, %swap3A_5], %swap3A_8 {strides = array<i32>} : memref<1x64x16384xf32, #tpu.memory_space<vmem>>, vector<1x64x16384xf32>,
    return
  }
  func.func @transform_0(%arg0: i32, %arg1: i32) -> (i32, i32, i32) {
    %c0_i32 = arith.constant 0 : i32
    %c0_i32_0 = arith.constant 0 : i32
    return %arg0, %arg1, %c0_i32 : i32, i32, i32
  }
  func.func @transform_1(%arg0: i32, %arg1: i32) -> (i32, i32, i32) {
    %c0_i32 = arith.constant 0 : i32
    %c0_i32_0 = arith.constant 0 : i32
    return %arg0, %c0_i32, %arg1 : i32, i32, i32
  }
}

module attributes {stable_mosaic.version = 14 : i64} {
  func.func @_tx_body(%arg0: i32, %arg1: memref<64x16384xf32, #tpu.memory_space<vmem>>, %arg2: memref<16384x128xf32, #tpu.memory_space<vmem>>) attributes {dimension_semantics = [#tpu.dimension_semantics<arbitrary>], iteration_bounds = array<i64: 62>, scalar_prefetch = 0 : i64, scratch_operands = 0 : i64, tpu.core_type = #tpu.core_type<tc>, window_params = [{transform_indices = @transform_0, window_bounds = array<i64: 64, 16384>}, {transform_indices = @transform_1, window_bounds = array<i64: 16384, 128>}]} {
    %get3A = arith.constant 0 : index
    %get3A_0 = arith.constant 0 : index
    %get3A_1 = vector.load %arg1[%get3A, %get3A_0] : memref<64x16384xf32, #tpu.memory_space<vmem>>, vector<64x16384xf32>
    %transpose3A = tpu.transpose %get3A_1, [1, 0] : vector<64x16384xf32> -> vector<16384x64xf32>
    %concatenate3A = tpu.concatenate %transpose3A, %transpose3A in 1 : vector<16384x64xf32>, vector<16384x64xf32> -> vector<16384x128xf32>
    %swap3A = arith.constant 0 : index
    %swap3A_2 = arith.constant 0 : index
    %swap3A_3 = vector.load %arg2[%swap3A, %swap3A_2] : memref<16384x128xf32, #tpu.memory_space<vmem>>, vector<16384x128xf32>
    tpu.vector_store %arg2[%swap3A, %swap3A_2], %concatenate3A {strides = array<i32>} : memref<16384x128xf32, #tpu.memory_space<vmem>>, vector<16384x128xf32>,
    return
  }
  func.func @transform_0(%arg0: i32) -> (i32, i32) {
    %c0_i32 = arith.constant 0 : i32
    %c0_i32_0 = arith.constant 0 : i32
    return %c0_i32, %arg0 : i32, i32
  }
  func.func @transform_1(%arg0: i32) -> (i32, i32) {
    %c0_i32 = arith.constant 0 : i32
    %c0_i32_0 = arith.constant 0 : i32
    return %arg0, %c0_i32 : i32, i32
  }
}

</mosaic_0001>

<sc_bundles>
// kernel: kernel.5.cloned.1.call-start
scs
__scs_entry_jumppad:
0x0: {  	(pc) =	sbr.rel $0x88, $3  }
0x1: {  	(tag) =	ssettag $0x0;
	lr =	simm.s32 $0x1  }
0x2: {  	[smem:$0x3F9F] =	sst lr;
	_ =	strace $0xD0000000  }
0x3: {  	_ = 	snop  }
0x4: {  	_ = 	snop  }
0x5: {  	_ = 	snop  }
0x6: {  	_ = 	snop  }
0x7: {  	_ = 	snop  }
__scs_overlays_trampoline_lowered:
0x8: {  	[smem:$0x3FAE] =	sst s0  }
0x9: {  	[smem:$0x3FAF] =	sst s1  }
0xa: {  	[smem:$0x3FB0] =	sst s2  }
0xb: {  	[smem:$0x3FB1] =	sst s3  }
0xc: {  	[smem:$0x3FB2] =	sst s4  }
0xd: {  	[smem:$0x3FB3] =	sst s5  }
0xe: {  	[smem:$0x3FB4] =	sst s6  }
0xf: {  	[smem:$0x3FB5] =	sst s7  }
0x10: {  	[smem:$0x3FB6] =	sst s8  }
0x11: {  	[smem:$0x3FB7] =	sst s9;
	s0 =	simm.s32 @!p0 $0x0  }
0x12: {  	s1 =	sld [smem:$0x3F9D];
	s0 =	simm.s32 @p0 $0x1  }
0x13: {  	[smem:$0x3FB8] =	sst s0;
	s0 =	simm.s32 @!p1 $0x0  }
0x14: {  	s2 =	sld [smem:$0x3F9C];
	s0 =	simm.s32 @p1 $0x1  }
0x15: {  	[smem:$0x3FB9] =	sst s0;
	s0 =	simm.s32 @!p2 $0x0  }
0x16: {  	s3 =	sld [smem:$0x3FDB];
	s0 =	simm.s32 @p2 $0x1  }
0x17: {  	s4 =	simm.s32 $0x1BF5;
	[smem:$0x3FBB] =	sst s0  }
0x18: {  	s0 =	sld [smem:$0x3F9E];
	_ =	swait.ge [sflag:s4], $0x0  }
0x19: {  	s7 =	sld [smem:$0x3F9F]  }
0x1a: {  	s8 =	sadd.s32 $0xFFFFE003, lr  }
0x1b: {  	s9 =	sadd.s32 $0xFFFFFEF7, lr;
	s5 =	simm.s32 $0xFFFFFFFF;
	p2 =	slt.u32 s8, $0xFFFFF086  }
0x1c: {  	p1 =	slt.u32 s9, $0xF7A;
	s5 =	simm.s32 @!p2 $0x0  }
0x1d: {  	s5 =	simm.s32 @p1 $0x1;
	p0 =	seq.s32 s7, s2  }
0x1e: {  	s7 =	smul.u32 @!p0 $0xF7A, s2;
	p2 =	seq.s32 @!p0 s5, $0x0  }
0x1f: {  	s9 =	smul.u32 $0xF7A, s1;
	s8 =	simm.s32 @!p0 $0x1BF5;
	p2 =	por !p2, p0  }
0x20: {  	[sflag:s8] =	ssyncset.s32 @!p0 $0xFFFFF086;
	s6 =	sadd.s32 @!p0 s3, s7;
	s7 =	simm.s32 @!p0 $0x108  }
0x21: {  	s3 =	sadd.s32 s3, s9;
	s6 =	sadd.s32 @!p0 $0x88, s6;
	s7 =	simm.s32 @p2 $0x1082  }
0x22: {  	[simem:s7], [sflag:s8] =	dma.local @!p0 [hbm:s6], $0xF7A  }
0x23: {  	s9 =	sor.u32 $0xD0000000, s2;
	s6 =	simm.s32 $0x108;
	_ =	swait.ge @!p0 [sflag:s8], $0x0  }
0x24: {  	s3 =	sadd.s32 $0x88, s3;
	s6 =	simm.s32 @!p1 $0x1082;
	[sflag:s4] =	ssyncset.s32 $0xFFFFF086  }
0x25: {  	[simem:s6], [sflag:s4] =	dma.local [hbm:s3], $0xF7A  }
0x26: {  	[smem:$0x3F9F] =	sst s1;
	(tag) =	ssettag s2;
	_ =	strace s9  }
0x27: {  	s1 =	sld [smem:$0x3FAF]  }
0x28: {  	s2 =	sld [smem:$0x3FB0]  }
0x29: {  	s4 =	sld [smem:$0x3FB2]  }
0x2a: {  	p0 =	seq.s32 s5, $0x0;
	s5 =	sld [smem:$0x3FB3]  }
0x2b: {  	s6 =	sld [smem:$0x3FB4]  }
0x2c: {  	s7 =	sld [smem:$0x3FB5]  }
0x2d: {  	s3 =	simm.s32 $0x108;
	s8 =	sld [smem:$0x3FB6]  }
0x2e: {  	s3 =	simm.s32 @!p0 $0x1082;
	s9 =	sld [smem:$0x3FB7]  }
0x2f: {  	lr =	sadd.s32 s0, s3;
	s0 =	sld [smem:$0x3FAE]  }
0x30: {  	s3 =	sld [smem:$0x3FB1]  }
0x31: {  	[smem:$0x3FBA] =	sst s10  }
0x32: {  	s10 =	sld [smem:$0x3FB8];
	_ =	sdelay $0x3  }
0x33: {  	p0 =	seq.s32 s10, $0x1;
	s10 =	sld [smem:$0x3FBA];
	_ =	sdelay $0x3  }
0x34: {  	[smem:$0x3FBA] =	sst s10  }
0x35: {  	s10 =	sld [smem:$0x3FB9];
	_ =	sdelay $0x3  }
0x36: {  	p1 =	seq.s32 s10, $0x1;
	s10 =	sld [smem:$0x3FBA];
	_ =	sdelay $0x3  }
0x37: {  	[smem:$0x3FBA] =	sst s10  }
0x38: {  	s10 =	sld [smem:$0x3FBB]  }
0x39: {  	_ = 	snop;
	(pc) =	sbr.ind lr, $3  }
0x3a: {  	_ = 	snop  }
0x3b: {  	_ = 	snop  }
0x3c: {  	p2 =	seq.s32 s10, $0x1;
	s10 =	sld [smem:$0x3FBA]  }
0x3d: {  	_ =	shalt  }
0x3e: {  	_ =	shalt  }
0x3f: {  	_ =	shalt  }
0x40: {  	_ =	shalt  }
0x41: {  	_ =	shalt  }
0x42: {  	_ =	shalt  }
0x43: {  	_ =	shalt  }
0x44: {  	_ =	shalt  }
0x45: {  	_ =	shalt  }
0x46: {  	_ =	shalt  }
0x47: {  	_ =	shalt  }
0x48: {  	_ =	shalt  }
0x49: {  	_ =	shalt  }
0x4a: {  	_ =	shalt  }
0x4b: {  	_ =	shalt  }
0x4c: {  	_ =	shalt  }
0x4d: {  	_ =	shalt  }
0x4e: {  	_ =	shalt  }
0x4f: {  	_ =	shalt  }
0x50: {  	_ =	shalt  }
0x51: {  	_ =	shalt  }
0x52: {  	_ =	shalt  }
0x53: {  	_ =	shalt  }
0x54: {  	_ =	shalt  }
0x55: {  	_ =	shalt  }
0x56: {  	_ =	shalt  }
0x57: {  	_ =	shalt  }
0x58: {  	_ =	shalt  }
0x59: {  	_ =	shalt  }
0x5a: {  	_ =	shalt  }
0x5b: {  	_ =	shalt  }
0x5c: {  	_ =	shalt  }
0x5d: {  	_ =	shalt  }
0x5e: {  	_ =	shalt  }
0x5f: {  	_ =	shalt  }
0x60: {  	_ =	shalt  }
0x61: {  	_ =	shalt  }
0x62: {  	_ =	shalt  }
0x63: {  	_ =	shalt  }
0x64: {  	_ =	shalt  }
0x65: {  	_ =	shalt  }
0x66: {  	_ =	shalt  }
0x67: {  	_ =	shalt  }
0x68: {  	_ =	shalt  }
0x69: {  	_ =	shalt  }
0x6a: {  	_ =	shalt  }
0x6b: {  	_ =	shalt  }
0x6c: {  	_ =	shalt  }
0x6d: {  	_ =	shalt  }
0x6e: {  	_ =	shalt  }
0x6f: {  	_ =	shalt  }
0x70: {  	_ =	shalt  }
0x71: {  	_ =	shalt  }
0x72: {  	_ =	shalt  }
0x73: {  	_ =	shalt  }
0x74: {  	_ =	shalt  }
0x75: {  	_ =	shalt  }
0x76: {  	_ =	shalt  }
0x77: {  	_ =	shalt  }
0x78: {  	_ =	shalt  }
0x79: {  	_ =	shalt  }
0x7a: {  	_ =	shalt  }
0x7b: {  	_ =	shalt  }
0x7c: {  	_ =	shalt  }
0x7d: {  	_ =	shalt  }
0x7e: {  	_ =	shalt  }
0x7f: {  	_ =	shalt  }
0x80: {  	_ =	shalt  }
0x81: {  	_ =	shalt  }
0x82: {  	_ =	shalt  }
0x83: {  	_ =	shalt  }
0x84: {  	_ =	shalt  }
0x85: {  	_ =	shalt  }
0x86: {  	_ =	shalt  }
0x87: {  	_ =	shalt  }
.Lfunc_end0:
.L_simem_size_0:
called_computation_lowered:
.L_overlay_start_0:
0x88: {  	s2 =	sld [smem:$0x3FD9]  }
0x89: {  	s3 =	sld [smem:$0x3FFE];
	_ =	sdelay $0x1  }
0x8a: {  	s1 =	srdreg.scid  }
0x8b: {  	s0 =	sand.u32 $0x1, s1  }
0x8c: {  	s17 =	sshll.u32 s0, $0xA;
	s2 =	sadd.s32 s3, s2  }
0x8d: {  	s2 =	sadd.s32 s2, s17  }
0x8e: {  	[smem:$0x3FC6] =	sst s2  }
0x8f: {  	_ = 	snop  }
0x90: {  	s2 =	sld [smem:$0x3FD0];
	(tm) =	ssettm $0x1  }
0x91: {  	s18 =	sld [smem:$0x3FFB];
	_ =	sdelay $0x3  }
0x92: {  	_ =	strace s18  }
0x93: {  	s3 =	sld [smem:$0x3FFC];
	_ =	sdelay $0x3  }
0x94: {  	_ =	strace s3  }
0x95: {  	s3 =	sld [smem:$0x3FFD];
	_ =	sdelay $0x3  }
0x96: {  	_ =	strace s3  }
0x97: {  	_ =	strace $0x8FFFFFFF  }
0x98: {  	s19 =	sld [smem:$0x3FDB];
	_ =	sdelay $0x1  }
0x99: {  	s4 =	simm.s32 $_scs_section_size  }
0x9a: {  	s5 =	simm.s32 $_size__tile_overlayer_lowered;
	s6 =	simm.s32 $_tile_overlayer_lowered  }
0x9b: {  	s22 =	simm.s32 $0x1BFF;
	s21 =	sshll.u32 s6, $0x1;
	s3 =	sadd.s32 s4, s19  }
0x9c: {  	s7 =	simm.s32 $0x0;
	s20 =	sshll.u32 s5, $0x1;
	s5 =	sadd.s32 s21, s3  }
0x9d: {  	[timem:s7], [sflag:s22] =	dma.local [hbm:s5], s20  }
0x9e: {  	_ =	swait.ge [sflag:s22], s20  }
0x9f: {  	s4 =	ssub.s32 $0x0, s20;
	[sflag:s22] =	ssyncset.done $0x0  }
0xa0: {  	[sflag:s22] =	ssyncadd.s32 s4;
	_ =	sdelay $0x1  }
0xa1: {  	s23 =	simm.s32 $0x1B8B  }
0xa2: {  	_ =	swait.ge [sflag:s23], $0x1  }
0xa3: {  	[sflag:s23] =	ssyncset.done $0x0  }
0xa4: {  	s25 =	simm.s32 $0x1B8E;
	s24 =	sld [smem:$0x3FFE];
	[sflag:s23] =	ssyncadd.s32 $0xFFFFFFFF  }
0xa5: {  	s26 =	simm.s32 $execute0_lowered;
	[smem:$0x3FD2] =	sst s25  }
0xa6: {  	s5 =	sshll.u32 s26, $0x1;
	_ =	strace $0x80000046;
	[dreg:$0x1] =	wrdreg $0xFFFFFFFF  }
0xa7: {  	s28 =	simm.s32 $_size_execute0_lowered;
	s3 =	sadd.s32 s3, s5;
	[dreg:$0x0] =	wrdreg $0x0  }
0xa8: {  	s5 =	sshll.u32 s28, $0x1;
	[dreg:$0x2] =	wrdreg s3  }
0xa9: {  	[dreg:$0x3] =	wrdreg s5  }
0xaa: {  	[dreg:$0x4] =	wrdreg $0xC0  }
0xab: {  	_ =	task [dreg:s7], $0x5FFFF  }
0xac: {  	[dreg:$0x1] =	wrdreg $0xFFFFFFFF  }
0xad: {  	[dreg:$0x0] =	wrdreg $0x60  }
0xae: {  	[dreg:$0x2] =	wrdreg s2  }
0xaf: {  	[dreg:$0x3] =	wrdreg s24  }
0xb0: {  	[dreg:$0x4] =	wrdreg $0x9  }
0xb1: {  	_ =	task.clear_ibuf [dreg:s7], $0x5FFFF;
	_ =	strace $0x90000046  }
0xb2: {  	s29 =	simm.s32 $0x9;
	_ =	strace $0x80000048  }
0xb3: {  	_ =	swait.ge [sflag:s29], $0x1  }
0xb4: {  	[sflag:s29] =	ssyncadd.s32 $0xFFFFFFFF  }
0xb5: {  	_ =	strace $0x90000048  }
0xb6: {  	_ =	sfence  }
0xb7: {  	s30 =	sld [smem:$0x0];
	_ =	sdelay $0x2  }
0xb8: {  	s31 =	sshll.u32 s1, $0xD;
	s1 =	sshrl.u32 s1, $0x2  }
0xb9: {  	s3 =	sand.u32 $0x4000, s31;
	s1 =	sadd.s32 s1, s30  }
0xba: {  	s0 =	sor.u32 s3, s0;
	s1 =	sshll.u32 s1, $0x11  }
0xbb: {  	s0 =	sor.u32 s1, s0  }
0xbc: {  	s0 =	sadd.s32 $0x8F2B, s0  }
0xbd: {  	[sflag:s0] =	ssyncadd.remote.s32 $0x1  }
0xbe: {  	_ =	sfence.sel $0xFFFF  }
0xbf: {  	[dreg:$0x0] =	wrdreg $0xFFFFFFFF;
	(pc) =	sbr.abs _section_cstart, $3  }
0xc0: {  	[dreg:$0x1] =	wrdreg $0xFFFFFFFF  }
0xc1: {  	_ =	task.clear_ibuf [dreg:s7], $0x2FFFF;
	_ =	strace $0x9FFFFFFF  }
0xc2: {  	(tm) =	ssettm $0x7FFFFFFF  }
0xc3: {  	_ =	shalt  }
tec
execute0_lowered:
.L_overlay_start_1:
0x0: {  	(tag) =	ssettag $0x1  }
0x1: {  	s0 =	srdreg.scid;
	s1 =	rddreg [dreg:$0x0]  }
0x2: {  	s9 =	stileid.u32;
	s4 =	rddreg [dreg:$0x1]  }
0x3: {  	s14 =	simm.s32 $0x9;
	s15 =	simm.s32 $0xC8;
	s16 =	simm.s32 $0x6400  }
0x4: {  	s17 =	simm.s32 $0xC800;
	s18 =	simm.s32 $0x1;
	s20 =	simm.s32 $0x12C00  }
0x5: {  	s21 =	simm.s32 $0x2;
	s28 =	simm.s32 $0x6;
	s29 =	simm.s32 $0x7  }
0x6: {  	s30 =	simm.s32 $0x8;
	s31 =	simm.s32 $0x0;
	s0 =	sand.u32 $0x1, s0  }
0x7: {  	s2 =	sshll.u32 s9, $0x1;
	s3 =	sadd.s32 $0x400, s4;
	s9 =	smul.u32 $0xC800, s9  }
0x8: {  	s5 =	sor.u32 s0, s2;
	s23 =	ssub.s32 $0x2, s0;
	s0 =	smul.u32 $0x6400, s0  }
0x9: {  	s4 =	sadd.s32 $0xF42800, s4;
	s2 =	simm.s32 $0x0;
	s6 =	smul.u32 $0x6400, s5  }
0xa: {  	[smem:$0x7FF] =	sst s2;
	s7 =	smul.u32 $0x64000, s5;
	s10 =	sshrl.u32 s23, $0x1  }
0xb: {  	s8 =	smul.u32 $0x320000, s5;
	_ =	strace $0x80000047;
	s10 =	ssub.s32 s23, s10  }
0xc: {  	s0 =	sadd.s32 s0, s9;
	s23 =	simm.s32 $0x19000;
	s6 =	sshrl.u32 s6, $0x3  }
0xd: {  	s5 =	sadd.s32 s4, s7;
	s25 =	sshrl.u32 s8, $0x3;
	s1 =	sadd.s32 s1, s6  }
0xe: {  	s0 =	sshll.u32 s0, $0x4;
	s24 =	sadd.s32 $0xC80, s5;
	[dreg:$0x3] =	wrdreg s1  }
0xf: {  	s9 =	smax.u32 s10, $0x1;
	s26 =	sadd.s32 $0x1900, s5;
	[dreg:$0x4] =	wrdreg s24  }
0x10: {  	s0 =	sadd.s32 s0, s4;
	[dreg:$0x5] =	wrdreg s26;
	s1 =	sadd.s32 s4, s25  }
0x11: {  	s10 =	sadd.s32 $0x2580, s0;
	s6 =	sadd.s32 $0x4B00, s0;
	s12 =	sadd.s32 $0x3E80, s0  }
0x12: {  	s13 =	sadd.s32 $0x3200, s0;
	s24 =	simm.s32 $0x3;
	s1 =	sadd.s32 $0x63380, s1  }
0x13: {  	s25 =	simm.s32 $0x5;
	s26 =	simm.s32 $0x4;
	[dreg:$0x6] =	wrdreg s1  }
.LBB2_1:
0x14: {  	s0 =	rddreg [dreg:$0x3]  }
0x15: {  	[tilespmem:s2], [sflag:$0x9] =	stream.linear.gather [hbm4b:s0+s2], $0x6400, $0x38;
	[tilespmem:$0x1F400] =	vst v63  }
0x16: {  	_ =	swait.ge [sflag:s14], $0x6400  }
0x17: {  	[sflag:s14] =	ssyncset.done $0x0  }
0x18: {  	[sflag:s14] =	ssyncadd.s32 $0xFFFF9C00  }
0x19: {  	[tilespmem:s16], [sflag:$0x1] =	stream.indirect.gather [hbm4b:s3+s15], $0x80, s2, s15, $0xb8;
	[tilespmem:$0x1F400] =	vst v63  }
0x1a: {  	_ = 	snop  }
0x1b: {  	[tilespmem:s17], [sflag:$0x2] =	stream.indirect.gather [hbm4b:s3+s15], $0x80, s15, s15, $0xb8;
	[tilespmem:$0x1F400] =	vst v63  }
0x1c: {  	_ =	swait.ge [sflag:s18], $0x6400  }
0x1d: {  	[sflag:s18] =	ssyncset.done $0x0  }
0x1e: {  	[sflag:s18] =	ssyncadd.s32 $0xFFFF9C00  }
0x1f: {  	[hbm4b:s5+s2] =	stream.linear.scatter [tilespmem:s16], [sflag:$0x5], $0x6400, $0x38;
	[tilespmem:$0x1F400] =	vst v63  }
0x20: {  	s22 =	simm.s32 $0x190  }
0x21: {  	[tilespmem:s20], [sflag:$0x3] =	stream.indirect.gather [hbm4b:s3+s15], $0x80, s22, s15, $0xb8;
	[tilespmem:$0x1F400] =	vst v63  }
0x22: {  	_ =	swait.ge [sflag:s21], $0x6400  }
0x23: {  	[sflag:s21] =	ssyncset.done $0x0  }
0x24: {  	s1 =	rddreg [dreg:$0x4];
	[sflag:s21] =	ssyncadd.s32 $0xFFFF9C00  }
0x25: {  	[hbm4b:s1+s2] =	stream.linear.scatter [tilespmem:s17], [sflag:$0x6], $0x6400, $0x38;
	[tilespmem:$0x1F400] =	vst v63  }
0x26: {  	s4 =	simm.s32 $0x258  }
0x27: {  	[tilespmem:s23], [sflag:$0x4] =	stream.indirect.gather [hbm4b:s3+s15], $0x80, s4, s15, $0xb8;
	[tilespmem:$0x1F400] =	vst v63  }
0x28: {  	_ =	swait.ge [sflag:s24], $0x6400  }
0x29: {  	[sflag:s24] =	ssyncset.done $0x0  }
0x2a: {  	s7 =	rddreg [dreg:$0x5];
	[sflag:s24] =	ssyncadd.s32 $0xFFFF9C00  }
0x2b: {  	[hbm4b:s7+s2] =	stream.linear.scatter [tilespmem:s20], [sflag:$0x7], $0x6400, $0x38;
	[tilespmem:$0x1F400] =	vst v63  }
0x2c: {  	_ =	swait.ge [sflag:s25], $0x6400  }
0x2d: {  	[sflag:s25] =	ssyncset.done $0x0  }
0x2e: {  	s8 =	simm.s32 $0x320;
	[sflag:s25] =	ssyncadd.s32 $0xFFFF9C00  }
0x2f: {  	[tilespmem:s16], [sflag:$0x1] =	stream.indirect.gather [hbm4b:s3+s15], $0x80, s8, s15, $0xb8;
	[tilespmem:$0x1F400] =	vst v63  }
0x30: {  	_ =	swait.ge [sflag:s26], $0x6400  }
0x31: {  	[sflag:s26] =	ssyncset.done $0x0  }
0x32: {  	[sflag:s26] =	ssyncadd.s32 $0xFFFF9C00  }
0x33: {  	[hbm4b:s10+s2] =	stream.linear.scatter [tilespmem:s23], [sflag:$0x8], $0x6400, $0x38;
	[tilespmem:$0x1F400] =	vst v63  }
0x34: {  	_ =	swait.ge [sflag:s28], $0x6400  }
0x35: {  	[sflag:s28] =	ssyncset.done $0x0  }
0x36: {  	s11 =	simm.s32 $0x3E8;
	[sflag:s28] =	ssyncadd.s32 $0xFFFF9C00  }
0x37: {  	[tilespmem:s17], [sflag:$0x2] =	stream.indirect.gather [hbm4b:s3+s15], $0x80, s11, s15, $0xb8;
	[tilespmem:$0x1F400] =	vst v63  }
0x38: {  	_ =	swait.ge [sflag:s18], $0x6400  }
0x39: {  	[sflag:s18] =	ssyncset.done $0x0  }
0x3a: {  	[sflag:s18] =	ssyncadd.s32 $0xFFFF9C00  }
0x3b: {  	[hbm4b:s13+s2] =	stream.linear.scatter [tilespmem:s16], [sflag:$0x5], $0x6400, $0x38;
	[tilespmem:$0x1F400] =	vst v63  }
0x3c: {  	_ =	swait.ge [sflag:s29], $0x6400  }
0x3d: {  	[sflag:s29] =	ssyncset.done $0x0  }
0x3e: {  	s19 =	simm.s32 $0x4B0;
	[sflag:s29] =	ssyncadd.s32 $0xFFFF9C00  }
0x3f: {  	[tilespmem:s20], [sflag:$0x3] =	stream.indirect.gather [hbm4b:s3+s15], $0x80, s19, s15, $0xb8;
	[tilespmem:$0x1F400] =	vst v63  }
0x40: {  	_ =	swait.ge [sflag:s21], $0x6400  }
0x41: {  	[sflag:s21] =	ssyncset.done $0x0  }
0x42: {  	[sflag:s21] =	ssyncadd.s32 $0xFFFF9C00  }
0x43: {  	[hbm4b:s12+s2] =	stream.linear.scatter [tilespmem:s17], [sflag:$0x6], $0x6400, $0x38;
	[tilespmem:$0x1F400] =	vst v63  }
0x44: {  	_ =	swait.ge [sflag:s30], $0x6400  }
0x45: {  	[sflag:s30] =	ssyncset.done $0x0  }
0x46: {  	s22 =	simm.s32 $0x578;
	[sflag:s30] =	ssyncadd.s32 $0xFFFF9C00  }
0x47: {  	[tilespmem:s23], [sflag:$0x4] =	stream.indirect.gather [hbm4b:s3+s15], $0x80, s22, s15, $0xb8;
	[tilespmem:$0x1F400] =	vst v63  }
0x48: {  	s0 =	sadd.s32 $0x3200, s12;
	s1 =	simm.s32 $0xC80;
	_ =	swait.ge [sflag:s24], $0x6400  }
0x49: {  	s4 =	sadd.s32 $0x3200, s6;
	s11 =	smov.u32 s6;
	[sflag:s24] =	ssyncset.done $0x0  }
0x4a: {  	s19 =	sadd.s32 $0x3200, s13;
	s22 =	sadd.s32 $0x3200, s10;
	[sflag:s24] =	ssyncadd.s32 $0xFFFF9C00  }
.LBB2_2:
0x4b: {  	[hbm4b:s11+s2] =	stream.linear.scatter [tilespmem:s20], [sflag:$0x7], $0x6400, $0x38;
	[tilespmem:$0x1F400] =	vst v63  }
0x4c: {  	s7 =	smov.u32 s1;
	s11 =	smov.u32 s4  }
0x4d: {  	p0 =	sne.s32 s1, $0x17700;
	s1 =	sadd.s32 $0xC80, s1;
	_ =	swait.ge [sflag:s25], $0x6400  }
0x4e: {  	s7 =	sshra.s32 s7, $0x2;
	[sflag:s25] =	ssyncset.done $0x0  }
0x4f: {  	s8 =	sadd.s32 $0x320, s7;
	[sflag:s25] =	ssyncadd.s32 $0xFFFF9C00  }
0x50: {  	[tilespmem:s16], [sflag:$0x1] =	stream.indirect.gather [hbm4b:s3+s15], $0x80, s8, s15, $0xb8;
	[tilespmem:$0x1F400] =	vst v63  }
0x51: {  	_ =	swait.ge [sflag:s26], $0x6400  }
0x52: {  	[sflag:s26] =	ssyncset.done $0x0  }
0x53: {  	[sflag:s26] =	ssyncadd.s32 $0xFFFF9C00  }
0x54: {  	[hbm4b:s22+s2] =	stream.linear.scatter [tilespmem:s23], [sflag:$0x8], $0x6400, $0x38;
	[tilespmem:$0x1F400] =	vst v63  }
0x55: {  	_ =	swait.ge [sflag:s28], $0x6400  }
0x56: {  	[sflag:s28] =	ssyncset.done $0x0  }
0x57: {  	s8 =	sadd.s32 $0x3E8, s7;
	[sflag:s28] =	ssyncadd.s32 $0xFFFF9C00  }
0x58: {  	[tilespmem:s17], [sflag:$0x2] =	stream.indirect.gather [hbm4b:s3+s15], $0x80, s8, s15, $0xb8;
	[tilespmem:$0x1F400] =	vst v63  }
0x59: {  	_ =	swait.ge [sflag:s18], $0x6400  }
0x5a: {  	[sflag:s18] =	ssyncset.done $0x0  }
0x5b: {  	[sflag:s18] =	ssyncadd.s32 $0xFFFF9C00  }
0x5c: {  	[hbm4b:s19+s2] =	stream.linear.scatter [tilespmem:s16], [sflag:$0x5], $0x6400, $0x38;
	[tilespmem:$0x1F400] =	vst v63  }
0x5d: {  	_ =	swait.ge [sflag:s29], $0x6400  }
0x5e: {  	[sflag:s29] =	ssyncset.done $0x0  }
0x5f: {  	s8 =	sadd.s32 $0x4B0, s7;
	[sflag:s29] =	ssyncadd.s32 $0xFFFF9C00  }
0x60: {  	[tilespmem:s20], [sflag:$0x3] =	stream.indirect.gather [hbm4b:s3+s15], $0x80, s8, s15, $0xb8;
	[tilespmem:$0x1F400] =	vst v63  }
0x61: {  	_ =	swait.ge [sflag:s21], $0x6400  }
0x62: {  	[sflag:s21] =	ssyncset.done $0x0  }
0x63: {  	[sflag:s21] =	ssyncadd.s32 $0xFFFF9C00  }
0x64: {  	[hbm4b:s0+s2] =	stream.linear.scatter [tilespmem:s17], [sflag:$0x6], $0x6400, $0x38;
	[tilespmem:$0x1F400] =	vst v63  }
0x65: {  	_ =	swait.ge [sflag:s30], $0x6400  }
0x66: {  	[sflag:s30] =	ssyncset.done $0x0  }
.Ltmp0:
0x67: {  	s7 =	sadd.s32 $0x578, s7;
	[sflag:s30] =	ssyncadd.s32 $0xFFFF9C00;
	(pc) =	sbr.rel @p0 .LBB2_2-.Ltmp0, $4  }
0x68: {  	[tilespmem:s23], [sflag:$0x4] =	stream.indirect.gather [hbm4b:s3+s15], $0x80, s7, s15, $0xb8;
	[tilespmem:$0x1F400] =	vst v63  }
0x69: {  	_ =	swait.ge [sflag:s24], $0x6400  }
0x6a: {  	s19 =	sadd.s32 $0x3200, s19;
	s0 =	sadd.s32 $0x3200, s0;
	[sflag:s24] =	ssyncset.done $0x0  }
0x6b: {  	s4 =	sadd.s32 $0x3200, s4;
	s22 =	sadd.s32 $0x3200, s22;
	[sflag:s24] =	ssyncadd.s32 $0xFFFF9C00  }
0x6c: {  	[hbm4b:s11+s2] =	stream.linear.scatter [tilespmem:s20], [sflag:$0x7], $0x6400, $0x38;
	[tilespmem:$0x1F400] =	vst v63  }
0x6d: {  	_ =	swait.ge [sflag:s26], $0x6400  }
0x6e: {  	[sflag:s26] =	ssyncset.done $0x0  }
0x6f: {  	s0 =	rddreg [dreg:$0x6];
	[sflag:s26] =	ssyncadd.s32 $0xFFFF9C00  }
0x70: {  	[hbm4b:s0+s2] =	stream.linear.scatter [tilespmem:s23], [sflag:$0x8], $0x6400, $0x38;
	[tilespmem:$0x1F400] =	vst v63  }
0x71: {  	_ =	swait.ge [sflag:s25], $0x6400  }
0x72: {  	[sflag:s25] =	ssyncset.done $0x0  }
0x73: {  	[sflag:s25] =	ssyncadd.s32 $0xFFFF9C00  }
0x74: {  	_ =	swait.ge [sflag:s28], $0x6400  }
0x75: {  	[sflag:s28] =	ssyncset.done $0x0  }
0x76: {  	s31 =	sadd.s32 $0x1, s31;
	[sflag:s28] =	ssyncadd.s32 $0xFFFF9C00  }
0x77: {  	p0 =	sne.s32 s31, s9;
	_ =	swait.ge [sflag:s29], $0x6400  }
.Ltmp1:
0x78: {  	[sflag:s29] =	ssyncset.done $0x0;
	(pc) =	sbr.rel @p0 .LBB2_1-.Ltmp1, $4  }
0x79: {  	[sflag:s29] =	ssyncadd.s32 $0xFFFF9C00  }
0x7a: {  	_ =	swait.ge [sflag:s30], $0x6400  }
0x7b: {  	[sflag:s30] =	ssyncset.done $0x0  }
0x7c: {  	[sflag:s30] =	ssyncadd.s32 $0xFFFF9C00  }
0x7d: {  	_ =	sfence.sel $0x180000  }
0x7e: {  	[bflag:$0x0] =	sbarrier.arrive $0xFFFF  }
0x7f: {  	_ =	strace $0x90000047  }
0x80: {  	s0 =	stileid.u32;
	[bflag:$0x2] =	sbarrier.arrive $0xFFFF  }
0x81: {  	p0 =	sne.s32 s0, $0x0;
	s0 =	rddreg [dreg:$0x2]  }
0x82: {  	s0 =	sadd.s32 @!p0 $0x100000, s0  }
0x83: {  	[sflag:s0] =	ssyncadd.tile.s32 @!p0 $0x1;
	_ =	shalt  }
.Lfunc_end2:
_tile_overlayer_lowered:
.L_overlay_start_2:
0x84: {  	(tag) =	ssettag $0x2  }
0x85: {  	s0 =	rddreg [dreg:$0x0];
	s2 =	stileid.u32  }
0x86: {  	s1 =	rddreg [dreg:$0x1];
	p0 =	sne.s32 s2, $0x0  }
0x87: {  	s3 =	rddreg [dreg:$0x2];
	[bflag:$0x3] =	sbarrier.arrive $0xFFFF;
	s2 =	simm.s32 @!p0 $0x1C09  }
0x88: {  	[timem:s3], [sflag:s2] =	dma.local @!p0 [hbm:s0], s1  }
0x89: {  	s0 =	simm.s32 @!p0 $0x9  }
0x8a: {  	_ =	swait.ge @!p0 [sflag:s0], s1  }
0x8b: {  	s1 =	ssub.s32 @!p0 $0x0, s1;
	[sflag:s0] =	ssyncset.done @!p0 $0x0  }
0x8c: {  	[sflag:s0] =	ssyncadd.s32 @!p0 s1  }
0x8d: {  	[bflag:$0x3] =	sbarrier.arrive $0xFFFF  }
0x8e: {  	_ =	shalt  }

</sc_bundles>
